<compile_context>
chip_gen: v7x
topology: tpu7x:2x2x1
jax: 0.10.2.dev20260603
libtpu: 0.0.44.dev20260713+nightly
codegen_flags: <defaults>
</compile_context>

<pallas_src>
import functools

import jax
import jax.numpy as jnp
from jax import lax
from jax.experimental import pallas as pl
from jax.experimental.pallas import tpu as pltpu, tpu_sc as plsc

NUM_TILES = 32
TILES_PER_SC = 16
C = 128
FRAC0 = 0.5


def _deg_kernel_fn(n_pad, ch0, ch1, rows_per_tile):
  mesh = plsc.VectorSubcoreMesh(core_axis_name="c", subcore_axis_name="s")
  chm = max(ch0, ch1)

  @functools.partial(
      pl.kernel,
      out_type=jax.ShapeDtypeStruct((2, n_pad), jnp.float32),
      mesh=mesh,
      scratch_types=[
          pltpu.VMEM((chm, C), jnp.int32),
          pltpu.VMEM((C,), jnp.float32),
          pltpu.VMEM((rows_per_tile,), jnp.float32),
          pltpu.VMEM_SHARED((n_pad,), jnp.float32),
      ],
  )
  def deg_kernel(dst_hbm, out_hbm, idx_v, ones_v, zbuf_v, acc):
    cid = lax.axis_index("c")
    sid = lax.axis_index("s")

    def set_ones(i, _):
      ones_v[pl.ds(i * 16, 16)] = jnp.ones((16,), jnp.float32)
      return 0

    lax.fori_loop(0, C // 16, set_ones, 0)

    def set_zero(i, _):
      zbuf_v[pl.ds(i * 16, 16)] = jnp.zeros((16,), jnp.float32)
      return 0

    lax.fori_loop(0, rows_per_tile // 16, set_zero, 0)
    pltpu.sync_copy(zbuf_v, acc.at[pl.ds(sid * rows_per_tile, rows_per_tile)])
    plsc.subcore_barrier()

    def run(base, count):
      pltpu.sync_copy(dst_hbm.at[pl.ds(base, count)],
                      idx_v.at[pl.ds(0, count)])

      def body(j, _):
        pltpu.sync_copy(ones_v, acc.at[idx_v.at[j]], add=True)
        return 0

      lax.fori_loop(0, count, body, 0)

    @pl.when(cid == 0)
    def _():
      run(sid * ch0, ch0)

    @pl.when(cid == 1)
    def _():
      run(TILES_PER_SC * ch0 + sid * ch1, ch1)

    plsc.subcore_barrier()
    sl = pl.ds(sid * rows_per_tile, rows_per_tile)
    pltpu.sync_copy(acc.at[sl], out_hbm.at[cid, sl])

  return deg_kernel


def _agg_kernel_fn(n_pad, d, ch0, ch1, rows_per_tile):
  mesh = plsc.VectorSubcoreMesh(core_axis_name="c", subcore_axis_name="s")
  chm = max(ch0, ch1)

  @functools.partial(
      pl.kernel,
      out_type=jax.ShapeDtypeStruct((2, n_pad, d), jnp.float32),
      mesh=mesh,
      scratch_types=[
          pltpu.VMEM((chm, C), jnp.int32),
          pltpu.VMEM((chm, C), jnp.int32),
          pltpu.VMEM((C, d), jnp.float32),
          pltpu.VMEM_SHARED((n_pad, d), jnp.float32),
          pltpu.SemaphoreType.DMA,
      ],
  )
  def agg_kernel(src_hbm, dst_hbm, g_hbm, out_hbm, src_v, dst_v, rows_v, acc,
                 sem):
    cid = lax.axis_index("c")
    sid = lax.axis_index("s")

    def zero_row(i, _):
      def zero_chunk(k, _2):
        rows_v[i, pl.ds(k * 16, 16)] = jnp.zeros((16,), jnp.float32)
        return 0

      lax.fori_loop(0, d // 16, zero_chunk, 0)
      return 0

    lax.fori_loop(0, C, zero_row, 0)

    def zero_acc(i, _):
      pltpu.sync_copy(rows_v, acc.at[pl.ds(sid * rows_per_tile + i * C, C)])
      return 0

    lax.fori_loop(0, rows_per_tile // C, zero_acc, 0)
    plsc.subcore_barrier()

    def run(base, count):
      pltpu.sync_copy(src_hbm.at[pl.ds(base, count)],
                      src_v.at[pl.ds(0, count)])
      pltpu.sync_copy(dst_hbm.at[pl.ds(base, count)],
                      dst_v.at[pl.ds(0, count)])

      def body(j, _):
        pltpu.async_copy(g_hbm.at[src_v.at[j]], rows_v, sem).wait()
        pltpu.sync_copy(rows_v, acc.at[dst_v.at[j]], add=True)
        return 0

      lax.fori_loop(0, count, body, 0)

    @pl.when(cid == 0)
    def _():
      run(sid * ch0, ch0)

    @pl.when(cid == 1)
    def _():
      run(TILES_PER_SC * ch0 + sid * ch1, ch1)

    plsc.subcore_barrier()

    def write_out(i, _):
      sl = pl.ds(sid * rows_per_tile + i * C, C)
      pltpu.sync_copy(acc.at[sl], out_hbm.at[cid, sl])
      return 0

    lax.fori_loop(0, rows_per_tile // C, write_out, 0)

  return agg_kernel


def _tc1_body(x_ref, w_ref, degp_ref, b_ref, g_ref, self_ref, dinv_ref):
  h = jnp.dot(x_ref[...], w_ref[...], preferred_element_type=jnp.float32)
  deg = degp_ref[0] + degp_ref[1] + 1.0
  dinv = lax.rsqrt(deg)
  g = dinv * h
  g_ref[...] = g
  self_ref[...] = dinv * g + b_ref[...]
  dinv_ref[...] = dinv


def _tc2_body(p_ref, self_ref, dinv_ref, o_ref):
  o_ref[...] = dinv_ref[...] * (p_ref[0] + p_ref[1]) + self_ref[...]


def kernel(x, edge_index, W, b):
  n, d_in = x.shape
  d = W.shape[1]
  e = edge_index.shape[1]

  tot_ch = -(-e // (TILES_PER_SC * C))
  tot_ch = -(-tot_ch // 16) * 16
  e_pad = tot_ch * TILES_PER_SC * C
  ch0 = max(8, int(round(tot_ch * FRAC0 / 8)) * 8)
  ch1 = tot_ch - ch0
  n_pad = -(-n // (TILES_PER_SC * C)) * (TILES_PER_SC * C)
  rows_per_tile = n_pad // TILES_PER_SC

  ei = edge_index.astype(jnp.int32)
  pad = (n + jnp.arange(e_pad - e, dtype=jnp.int32) % (n_pad - n)).astype(
      jnp.int32)
  src_f = jnp.concatenate([ei[0], pad]).reshape(tot_ch * TILES_PER_SC, C)
  dst_f = jnp.concatenate([ei[1], pad]).reshape(tot_ch * TILES_PER_SC, C)
  x_pad = jnp.pad(x, ((0, n_pad - n), (0, 0)))

  degp = _deg_kernel_fn(n_pad, ch0, ch1, rows_per_tile)(dst_f)
  degp3 = degp.reshape(2, n_pad, 1)

  br = 2048
  grid = n_pad // br
  g, selfpart, dinv = pl.pallas_call(
      _tc1_body,
      grid=(grid,),
      in_specs=[
          pl.BlockSpec((br, d_in), lambda i: (i, 0)),
          pl.BlockSpec((d_in, d), lambda i: (0, 0)),
          pl.BlockSpec((2, br, 1), lambda i: (0, i, 0)),
          pl.BlockSpec((1, d), lambda i: (0, 0)),
      ],
      out_specs=[
          pl.BlockSpec((br, d), lambda i: (i, 0)),
          pl.BlockSpec((br, d), lambda i: (i, 0)),
          pl.BlockSpec((br, 1), lambda i: (i, 0)),
      ],
      out_shape=[
          jax.ShapeDtypeStruct((n_pad, d), jnp.float32),
          jax.ShapeDtypeStruct((n_pad, d), jnp.float32),
          jax.ShapeDtypeStruct((n_pad, 1), jnp.float32),
      ],
  )(x_pad, W, degp3, b.reshape(1, d))

  p = _agg_kernel_fn(n_pad, d, ch0, ch1, rows_per_tile)(src_f, dst_f, g)

  out = pl.pallas_call(
      _tc2_body,
      grid=(grid,),
      in_specs=[
          pl.BlockSpec((2, br, d), lambda i: (0, i, 0)),
          pl.BlockSpec((br, d), lambda i: (i, 0)),
          pl.BlockSpec((br, 1), lambda i: (i, 0)),
      ],
      out_specs=pl.BlockSpec((br, d), lambda i: (i, 0)),
      out_shape=jax.ShapeDtypeStruct((n_pad, d), jnp.float32),
  )(p, selfpart, dinv)

  return out[:n]

# --- scband reference (transcript-rebuilt; emitter-appended) ---
"""Pipeline reference for scband-na-aggregator-27410481283128 (READ-ONLY COPY).

The authoritative reference and input builder live on the scoring server;
editing this copy changes nothing except your own understanding.
"""

import jax, jax.numpy as jnp
import numpy as np

N = 10000
E = 320000
D_IN = 128
D_OUT = 128


def setup_inputs(seed: int = 0) -> dict:
    key = jax.random.key(seed)
    k1, k2, k3 = jax.random.split(key, 3)
    x = jax.random.normal(k1, (N, D_IN), dtype=jnp.float32)
    edge_index = jax.random.randint(k2, (2, E), 0, N).astype(jnp.int64)
    # GCNConv linear weight (glorot-style init), stored as [in, out] for x @ W
    limit = np.sqrt(6.0 / (D_IN + D_OUT))
    W = jax.random.uniform(k3, (D_IN, D_OUT), dtype=jnp.float32, minval=-limit, maxval=limit)
    b = jnp.zeros((D_OUT,), dtype=jnp.float32)
    return {"x": x, "edge_index": edge_index, "W": W, "b": b}


def reference(x, edge_index, W, b):
    # Faithful GCNConv (PyG semantics): add self-loops, symmetric normalization,
    # linear transform, norm-weighted scatter-add aggregation, bias.
    n = x.shape[0]
    loop = jnp.arange(n, dtype=edge_index.dtype)
    src = jnp.concatenate([edge_index[0], loop])
    dst = jnp.concatenate([edge_index[1], loop])
    # degree computed on destination (col) index with unit edge weights
    ew = jnp.ones(src.shape[0], dtype=x.dtype)
    deg = jax.ops.segment_sum(ew, dst, num_segments=n)
    deg_inv_sqrt = jnp.where(deg > 0, jax.lax.rsqrt(jnp.maximum(deg, 1e-12)), 0.0)
    norm = deg_inv_sqrt[src] * deg_inv_sqrt[dst]
    h = x @ W
    msg = norm[:, None] * jnp.take(h, src, axis=0)
    out = jax.ops.segment_sum(msg, dst, num_segments=n) + b
    return out

if __name__ == "__main__":
    import jax
    _d = setup_inputs()
    print(jax.jit(kernel)(*tuple(_d.values())))

</pallas_src>

<mosaic_0001>
#map = affine_map<(d0, d1) -> (0, 0)>
module attributes {stable_mosaic.version = 14 : i64} {
  func.func @deg_kernel(%arg0: i32, %arg1: i32, %arg2: memref<2560x128xi32, #tpu.memory_space<hbm>>, %arg3: memref<2x10240xf32, #tpu.memory_space<hbm>>, %arg4: memref<80x128xi32, #tpu.memory_space<vmem>>, %arg5: memref<128xf32, #tpu.memory_space<vmem>>, %arg6: memref<640xf32, #tpu.memory_space<vmem>>, %arg7: memref<10240xf32, #tpu.memory_space<vmem_shared>>) attributes {dimension_semantics = [#tpu.dimension_semantics<core_parallel>, #tpu.dimension_semantics<subcore_parallel>], iteration_bounds = array<i64: 2, 16>, scalar_prefetch = 0 : i64, scratch_operands = 4 : i64, tpu.core_type = #tpu.core_type<sc_vector_subcore>, window_params = [{transform_indices = #map}, {transform_indices = #map}]} {
    %scan3A = arith.constant 0 : i32
    %scan3A_0 = arith.constant 0 : i32
    %scan3A_1 = arith.constant 8 : i32
    %scan3A_2 = arith.addi %scan3A_0, %scan3A_1 : i32
    %scan3A_3 = arith.constant 1 : i32
    %scan3A_4 = scf.for %scan3A_24 = %scan3A_0 to %scan3A_2 step %scan3A_3 iter_args(%scan3A_25 = %scan3A) -> (i32)  : i32 {
      %broadcast_in_dim3A = arith.constant 1.000000e+00 : f32
      %broadcast_in_dim3A_26 = vector.broadcast %broadcast_in_dim3A : f32 to vector<16xf32>
      %mul3A_27 = arith.constant 16 : i32
      %mul3A_28 = arith.muli %scan3A_24, %mul3A_27 : i32
      %swap3A = arith.index_cast %mul3A_28 : i32 to index
      %swap3A_29 = tpu.vector_load %arg5[%swap3A] {strides = array<i32>} : memref<128xf32, #tpu.memory_space<vmem>>, vector<16xf32>,
      %swap3A_30 = vector.shape_cast %swap3A_29 : vector<16xf32> to vector<16xf32>
      %swap3A_31 = vector.shape_cast %broadcast_in_dim3A_26 : vector<16xf32> to vector<16xf32>
      tpu.vector_store %arg5[%swap3A], %swap3A_31 {strides = array<i32>} : memref<128xf32, #tpu.memory_space<vmem>>, vector<16xf32>,
      %scan3A_32 = arith.constant 0 : i32
      scf.yield %scan3A_32 : i32
    }
    %scan3A_5 = arith.constant 8 : i32
    %scan3A_6 = arith.constant 0 : i32
    %scan3A_7 = arith.constant 0 : i32
    %scan3A_8 = arith.constant 40 : i32
    %scan3A_9 = arith.addi %scan3A_7, %scan3A_8 : i32
    %scan3A_10 = arith.constant 1 : i32
    %scan3A_11 = scf.for %scan3A_24 = %scan3A_7 to %scan3A_9 step %scan3A_10 iter_args(%scan3A_25 = %scan3A_6) -> (i32)  : i32 {
      %broadcast_in_dim3A = arith.constant 0.000000e+00 : f32
      %broadcast_in_dim3A_26 = vector.broadcast %broadcast_in_dim3A : f32 to vector<16xf32>
      %mul3A_27 = arith.constant 16 : i32
      %mul3A_28 = arith.muli %scan3A_24, %mul3A_27 : i32
      %swap3A = arith.index_cast %mul3A_28 : i32 to index
      %swap3A_29 = tpu.vector_load %arg6[%swap3A] {strides = array<i32>} : memref<640xf32, #tpu.memory_space<vmem>>, vector<16xf32>,
      %swap3A_30 = vector.shape_cast %swap3A_29 : vector<16xf32> to vector<16xf32>
      %swap3A_31 = vector.shape_cast %broadcast_in_dim3A_26 : vector<16xf32> to vector<16xf32>
      tpu.vector_store %arg6[%swap3A], %swap3A_31 {strides = array<i32>} : memref<640xf32, #tpu.memory_space<vmem>>, vector<16xf32>,
      %scan3A_32 = arith.constant 0 : i32
      scf.yield %scan3A_32 : i32
    }
    %scan3A_12 = arith.constant 40 : i32
    %mul3A = arith.constant 640 : i32
    %mul3A_13 = arith.muli %arg1, %mul3A : i32
    "tpu.region"() ({
      %run_scoped3A = tpu.sem_alloc : memref<!tpu.dma_semaphore, #tpu.memory_space<semaphore_mem>>
      %dma_start3A = tpu.memref_slice %arg7[%mul3A_13] : memref<10240xf32, #tpu.memory_space<vmem_shared>> -> memref<640xf32, #tpu.memory_space<vmem_shared>>
      %dma_start3A_24 = tpu.memref_slice %arg7[%mul3A_13] : memref<10240xf32, #tpu.memory_space<vmem_shared>> -> memref<640xf32, #tpu.memory_space<vmem_shared>>
      tpu.enqueue_dma source(%arg6 : memref<640xf32, #tpu.memory_space<vmem>>) target(%dma_start3A_24 : memref<640xf32, #tpu.memory_space<vmem_shared>>) target_semaphore(%run_scoped3A : memref<!tpu.dma_semaphore, #tpu.memory_space<semaphore_mem>>)
      %dma_wait3A = tpu.memref_slice %arg7[%mul3A_13] : memref<10240xf32, #tpu.memory_space<vmem_shared>> -> memref<640xf32, #tpu.memory_space<vmem_shared>>
      %dma_wait3A_25 = tpu.memref_slice %arg7[%mul3A_13] : memref<10240xf32, #tpu.memory_space<vmem_shared>> -> memref<640xf32, #tpu.memory_space<vmem_shared>>
      tpu.wait_dma2 semaphore(%run_scoped3A : memref<!tpu.dma_semaphore, #tpu.memory_space<semaphore_mem>>) src(%arg6 : memref<640xf32, #tpu.memory_space<vmem>>) dst(%dma_wait3A_25 : memref<640xf32, #tpu.memory_space<vmem_shared>>)
      tpu.yield
    }) : () -> ()
    %barrier3A = arith.constant 0 : index
    tpu.barrier barrier_id(%barrier3A)
    %eq3A = arith.constant 0 : i32
    %eq3A_14 = arith.cmpi eq, %arg0, %eq3A : i32
    %convert_element_type3A = arith.extui %eq3A_14 : i1 to i32
    %cond3A = arith.constant 0 : i32
    %cond3A_15 = arith.cmpi ne, %convert_element_type3A, %cond3A : i32
    scf.if %cond3A_15 {
      %mul3A_24 = arith.constant 80 : i32
      %mul3A_25 = arith.muli %arg1, %mul3A_24 : i32
      "tpu.region"() ({
        %run_scoped3A = tpu.sem_alloc : memref<!tpu.dma_semaphore, #tpu.memory_space<semaphore_mem>>
        %dma_start3A = arith.constant 0 : i32
        %dma_start3A_33 = arith.constant 0 : i32
        %dma_start3A_34 = tpu.memref_slice %arg4[%dma_start3A, %dma_start3A_33] : memref<80x128xi32, #tpu.memory_space<vmem>> -> memref<80x128xi32, #tpu.memory_space<vmem>>
        %dma_start3A_35 = arith.constant 0 : i32
        %dma_start3A_36 = tpu.memref_slice %arg2[%mul3A_25, %dma_start3A_35] : memref<2560x128xi32, #tpu.memory_space<hbm>> -> memref<80x128xi32, #tpu.memory_space<hbm>>
        %dma_start3A_37 = arith.constant 0 : i32
        %dma_start3A_38 = arith.constant 0 : i32
        %dma_start3A_39 = tpu.memref_slice %arg4[%dma_start3A_37, %dma_start3A_38] : memref<80x128xi32, #tpu.memory_space<vmem>> -> memref<80x128xi32, #tpu.memory_space<vmem>>
        %dma_start3A_40 = arith.constant 0 : i32
        %dma_start3A_41 = tpu.memref_slice %arg2[%mul3A_25, %dma_start3A_40] : memref<2560x128xi32, #tpu.memory_space<hbm>> -> memref<80x128xi32, #tpu.memory_space<hbm>>
        tpu.enqueue_dma source(%dma_start3A_41 : memref<80x128xi32, #tpu.memory_space<hbm>>) target(%dma_start3A_39 : memref<80x128xi32, #tpu.memory_space<vmem>>) target_semaphore(%run_scoped3A : memref<!tpu.dma_semaphore, #tpu.memory_space<semaphore_mem>>)
        %dma_wait3A = arith.constant 0 : i32
        %dma_wait3A_42 = arith.constant 0 : i32
        %dma_wait3A_43 = tpu.memref_slice %arg4[%dma_wait3A, %dma_wait3A_42] : memref<80x128xi32, #tpu.memory_space<vmem>> -> memref<80x128xi32, #tpu.memory_space<vmem>>
        %dma_wait3A_44 = arith.constant 0 : i32
        %dma_wait3A_45 = tpu.memref_slice %arg2[%mul3A_25, %dma_wait3A_44] : memref<2560x128xi32, #tpu.memory_space<hbm>> -> memref<80x128xi32, #tpu.memory_space<hbm>>
        %dma_wait3A_46 = arith.constant 0 : i32
        %dma_wait3A_47 = arith.constant 0 : i32
        %dma_wait3A_48 = tpu.memref_slice %arg4[%dma_wait3A_46, %dma_wait3A_47] : memref<80x128xi32, #tpu.memory_space<vmem>> -> memref<80x128xi32, #tpu.memory_space<vmem>>
        %dma_wait3A_49 = arith.constant 0 : i32
        %dma_wait3A_50 = tpu.memref_slice %arg2[%mul3A_25, %dma_wait3A_49] : memref<2560x128xi32, #tpu.memory_space<hbm>> -> memref<80x128xi32, #tpu.memory_space<hbm>>
        tpu.wait_dma2 semaphore(%run_scoped3A : memref<!tpu.dma_semaphore, #tpu.memory_space<semaphore_mem>>) src(%dma_wait3A_50 : memref<80x128xi32, #tpu.memory_space<hbm>>) dst(%dma_wait3A_48 : memref<80x128xi32, #tpu.memory_space<vmem>>)
        tpu.yield
      }) : () -> ()
      %scan3A_26 = arith.constant 0 : i32
      %scan3A_27 = arith.constant 0 : i32
      %scan3A_28 = arith.constant 80 : i32
      %scan3A_29 = arith.addi %scan3A_27, %scan3A_28 : i32
      %scan3A_30 = arith.constant 1 : i32
      %scan3A_31 = scf.for %scan3A_33 = %scan3A_27 to %scan3A_29 step %scan3A_30 iter_args(%scan3A_34 = %scan3A_26) -> (i32)  : i32 {
        "tpu.region"() ({
          %run_scoped3A = tpu.sem_alloc : memref<!tpu.dma_semaphore, #tpu.memory_space<semaphore_mem>>
          %dma_start3A = arith.constant 0 : i32
          %dma_start3A_36 = tpu.memref_slice %arg4[%scan3A_33, %dma_start3A] : memref<80x128xi32, #tpu.memory_space<vmem>> -> memref<1x128xi32, #tpu.memory_space<vmem>>
          %dma_start3A_37 = tpu.memref_squeeze %dma_start3A_36 : memref<1x128xi32, #tpu.memory_space<vmem>> -> memref<128xi32, #tpu.memory_space<vmem>>
          %dma_start3A_38 = arith.constant 0 : i32
          %dma_start3A_39 = tpu.memref_slice %arg7[%dma_start3A_38] : memref<10240xf32, #tpu.memory_space<vmem_shared>> -> memref<10240xf32, #tpu.memory_space<vmem_shared>>
          tpu.enqueue_indirect_dma source(%arg5 : memref<128xf32, #tpu.memory_space<vmem>>) target(%dma_start3A_39 : memref<10240xf32, #tpu.memory_space<vmem_shared>>) offsets(%dma_start3A_37 : memref<128xi32, #tpu.memory_space<vmem>>) semaphore(%run_scoped3A : memref<!tpu.dma_semaphore, #tpu.memory_space<semaphore_mem>>) {add = true}
          %dma_wait3A = arith.constant 0 : i32
          %dma_wait3A_40 = tpu.memref_slice %arg4[%scan3A_33, %dma_wait3A] : memref<80x128xi32, #tpu.memory_space<vmem>> -> memref<1x128xi32, #tpu.memory_space<vmem>>
          %dma_wait3A_41 = tpu.memref_squeeze %dma_wait3A_40 : memref<1x128xi32, #tpu.memory_space<vmem>> -> memref<128xi32, #tpu.memory_space<vmem>>
          %dma_wait3A_42 = arith.constant 0 : i32
          %dma_wait3A_43 = tpu.memref_slice %arg7[%dma_wait3A_42] : memref<10240xf32, #tpu.memory_space<vmem_shared>> -> memref<10240xf32, #tpu.memory_space<vmem_shared>>
          tpu.wait_indirect_dma semaphore(%run_scoped3A : memref<!tpu.dma_semaphore, #tpu.memory_space<semaphore_mem>>) src(%arg5 : memref<128xf32, #tpu.memory_space<vmem>>) dst(%dma_wait3A_43 : memref<10240xf32, #tpu.memory_space<vmem_shared>>)
          tpu.yield
        }) : () -> ()
        %scan3A_35 = arith.constant 0 : i32
        scf.yield %scan3A_35 : i32
      }
      %scan3A_32 = arith.constant 80 : i32
    } else {
    }
    %eq3A_16 = arith.constant 1 : i32
    %eq3A_17 = arith.cmpi eq, %arg0, %eq3A_16 : i32
    %convert_element_type3A_18 = arith.extui %eq3A_17 : i1 to i32
    %cond3A_19 = arith.constant 0 : i32
    %cond3A_20 = arith.cmpi ne, %convert_element_type3A_18, %cond3A_19 : i32
    scf.if %cond3A_20 {
      %mul3A_24 = arith.constant 80 : i32
      %mul3A_25 = arith.muli %arg1, %mul3A_24 : i32
      %add3A = arith.constant 1280 : i32
      %add3A_26 = arith.addi %add3A, %mul3A_25 : i32
      "tpu.region"() ({
        %run_scoped3A = tpu.sem_alloc : memref<!tpu.dma_semaphore, #tpu.memory_space<semaphore_mem>>
        %dma_start3A = arith.constant 0 : i32
        %dma_start3A_34 = arith.constant 0 : i32
        %dma_start3A_35 = tpu.memref_slice %arg4[%dma_start3A, %dma_start3A_34] : memref<80x128xi32, #tpu.memory_space<vmem>> -> memref<80x128xi32, #tpu.memory_space<vmem>>
        %dma_start3A_36 = arith.constant 0 : i32
        %dma_start3A_37 = tpu.memref_slice %arg2[%add3A_26, %dma_start3A_36] : memref<2560x128xi32, #tpu.memory_space<hbm>> -> memref<80x128xi32, #tpu.memory_space<hbm>>
        %dma_start3A_38 = arith.constant 0 : i32
        %dma_start3A_39 = arith.constant 0 : i32
        %dma_start3A_40 = tpu.memref_slice %arg4[%dma_start3A_38, %dma_start3A_39] : memref<80x128xi32, #tpu.memory_space<vmem>> -> memref<80x128xi32, #tpu.memory_space<vmem>>
        %dma_start3A_41 = arith.constant 0 : i32
        %dma_start3A_42 = tpu.memref_slice %arg2[%add3A_26, %dma_start3A_41] : memref<2560x128xi32, #tpu.memory_space<hbm>> -> memref<80x128xi32, #tpu.memory_space<hbm>>
        tpu.enqueue_dma source(%dma_start3A_42 : memref<80x128xi32, #tpu.memory_space<hbm>>) target(%dma_start3A_40 : memref<80x128xi32, #tpu.memory_space<vmem>>) target_semaphore(%run_scoped3A : memref<!tpu.dma_semaphore, #tpu.memory_space<semaphore_mem>>)
        %dma_wait3A = arith.constant 0 : i32
        %dma_wait3A_43 = arith.constant 0 : i32
        %dma_wait3A_44 = tpu.memref_slice %arg4[%dma_wait3A, %dma_wait3A_43] : memref<80x128xi32, #tpu.memory_space<vmem>> -> memref<80x128xi32, #tpu.memory_space<vmem>>
        %dma_wait3A_45 = arith.constant 0 : i32
        %dma_wait3A_46 = tpu.memref_slice %arg2[%add3A_26, %dma_wait3A_45] : memref<2560x128xi32, #tpu.memory_space<hbm>> -> memref<80x128xi32, #tpu.memory_space<hbm>>
        %dma_wait3A_47 = arith.constant 0 : i32
        %dma_wait3A_48 = arith.constant 0 : i32
        %dma_wait3A_49 = tpu.memref_slice %arg4[%dma_wait3A_47, %dma_wait3A_48] : memref<80x128xi32, #tpu.memory_space<vmem>> -> memref<80x128xi32, #tpu.memory_space<vmem>>
        %dma_wait3A_50 = arith.constant 0 : i32
        %dma_wait3A_51 = tpu.memref_slice %arg2[%add3A_26, %dma_wait3A_50] : memref<2560x128xi32, #tpu.memory_space<hbm>> -> memref<80x128xi32, #tpu.memory_space<hbm>>
        tpu.wait_dma2 semaphore(%run_scoped3A : memref<!tpu.dma_semaphore, #tpu.memory_space<semaphore_mem>>) src(%dma_wait3A_51 : memref<80x128xi32, #tpu.memory_space<hbm>>) dst(%dma_wait3A_49 : memref<80x128xi32, #tpu.memory_space<vmem>>)
        tpu.yield
      }) : () -> ()
      %scan3A_27 = arith.constant 0 : i32
      %scan3A_28 = arith.constant 0 : i32
      %scan3A_29 = arith.constant 80 : i32
      %scan3A_30 = arith.addi %scan3A_28, %scan3A_29 : i32
      %scan3A_31 = arith.constant 1 : i32
      %scan3A_32 = scf.for %scan3A_34 = %scan3A_28 to %scan3A_30 step %scan3A_31 iter_args(%scan3A_35 = %scan3A_27) -> (i32)  : i32 {
        "tpu.region"() ({
          %run_scoped3A = tpu.sem_alloc : memref<!tpu.dma_semaphore, #tpu.memory_space<semaphore_mem>>
          %dma_start3A = arith.constant 0 : i32
          %dma_start3A_37 = tpu.memref_slice %arg4[%scan3A_34, %dma_start3A] : memref<80x128xi32, #tpu.memory_space<vmem>> -> memref<1x128xi32, #tpu.memory_space<vmem>>
          %dma_start3A_38 = tpu.memref_squeeze %dma_start3A_37 : memref<1x128xi32, #tpu.memory_space<vmem>> -> memref<128xi32, #tpu.memory_space<vmem>>
          %dma_start3A_39 = arith.constant 0 : i32
          %dma_start3A_40 = tpu.memref_slice %arg7[%dma_start3A_39] : memref<10240xf32, #tpu.memory_space<vmem_shared>> -> memref<10240xf32, #tpu.memory_space<vmem_shared>>
          tpu.enqueue_indirect_dma source(%arg5 : memref<128xf32, #tpu.memory_space<vmem>>) target(%dma_start3A_40 : memref<10240xf32, #tpu.memory_space<vmem_shared>>) offsets(%dma_start3A_38 : memref<128xi32, #tpu.memory_space<vmem>>) semaphore(%run_scoped3A : memref<!tpu.dma_semaphore, #tpu.memory_space<semaphore_mem>>) {add = true}
          %dma_wait3A = arith.constant 0 : i32
          %dma_wait3A_41 = tpu.memref_slice %arg4[%scan3A_34, %dma_wait3A] : memref<80x128xi32, #tpu.memory_space<vmem>> -> memref<1x128xi32, #tpu.memory_space<vmem>>
          %dma_wait3A_42 = tpu.memref_squeeze %dma_wait3A_41 : memref<1x128xi32, #tpu.memory_space<vmem>> -> memref<128xi32, #tpu.memory_space<vmem>>
          %dma_wait3A_43 = arith.constant 0 : i32
          %dma_wait3A_44 = tpu.memref_slice %arg7[%dma_wait3A_43] : memref<10240xf32, #tpu.memory_space<vmem_shared>> -> memref<10240xf32, #tpu.memory_space<vmem_shared>>
          tpu.wait_indirect_dma semaphore(%run_scoped3A : memref<!tpu.dma_semaphore, #tpu.memory_space<semaphore_mem>>) src(%arg5 : memref<128xf32, #tpu.memory_space<vmem>>) dst(%dma_wait3A_44 : memref<10240xf32, #tpu.memory_space<vmem_shared>>)
          tpu.yield
        }) : () -> ()
        %scan3A_36 = arith.constant 0 : i32
        scf.yield %scan3A_36 : i32
      }
      %scan3A_33 = arith.constant 80 : i32
    } else {
    }
    %barrier3A_21 = arith.constant 0 : index
    tpu.barrier barrier_id(%barrier3A_21)
    %mul3A_22 = arith.constant 640 : i32
    %mul3A_23 = arith.muli %arg1, %mul3A_22 : i32
    "tpu.region"() ({
      %run_scoped3A = tpu.sem_alloc : memref<!tpu.dma_semaphore, #tpu.memory_space<semaphore_mem>>
      %dma_start3A = tpu.memref_slice %arg3[%arg0, %mul3A_23] : memref<2x10240xf32, #tpu.memory_space<hbm>> -> memref<1x640xf32, #tpu.memory_space<hbm>>
      %dma_start3A_24 = tpu.memref_squeeze %dma_start3A : memref<1x640xf32, #tpu.memory_space<hbm>> -> memref<640xf32, #tpu.memory_space<hbm>>
      %dma_start3A_25 = tpu.memref_slice %arg7[%mul3A_23] : memref<10240xf32, #tpu.memory_space<vmem_shared>> -> memref<640xf32, #tpu.memory_space<vmem_shared>>
      tpu.enqueue_dma source(%dma_start3A_25 : memref<640xf32, #tpu.memory_space<vmem_shared>>) target(%dma_start3A_24 : memref<640xf32, #tpu.memory_space<hbm>>) target_semaphore(%run_scoped3A : memref<!tpu.dma_semaphore, #tpu.memory_space<semaphore_mem>>)
      %dma_wait3A = tpu.memref_slice %arg3[%arg0, %mul3A_23] : memref<2x10240xf32, #tpu.memory_space<hbm>> -> memref<1x640xf32, #tpu.memory_space<hbm>>
      %dma_wait3A_26 = tpu.memref_squeeze %dma_wait3A : memref<1x640xf32, #tpu.memory_space<hbm>> -> memref<640xf32, #tpu.memory_space<hbm>>
      %dma_wait3A_27 = tpu.memref_slice %arg7[%mul3A_23] : memref<10240xf32, #tpu.memory_space<vmem_shared>> -> memref<640xf32, #tpu.memory_space<vmem_shared>>
      tpu.wait_dma2 semaphore(%run_scoped3A : memref<!tpu.dma_semaphore, #tpu.memory_space<semaphore_mem>>) src(%dma_wait3A_27 : memref<640xf32, #tpu.memory_space<vmem_shared>>) dst(%dma_wait3A_26 : memref<640xf32, #tpu.memory_space<hbm>>)
      tpu.yield
    }) : () -> ()
    return
  }
}

#map = affine_map<(d0, d1) -> (0, 0)>
#map1 = affine_map<(d0, d1) -> (0, 0, 0)>
module attributes {stable_mosaic.version = 14 : i64} {
  func.func @agg_kernel(%arg0: i32, %arg1: i32, %arg2: memref<2560x128xi32, #tpu.memory_space<hbm>>, %arg3: memref<2560x128xi32, #tpu.memory_space<hbm>>, %arg4: memref<10240x128xf32, #tpu.memory_space<hbm>>, %arg5: memref<2x10240x128xf32, #tpu.memory_space<hbm>>, %arg6: memref<80x128xi32, #tpu.memory_space<vmem>>, %arg7: memref<80x128xi32, #tpu.memory_space<vmem>>, %arg8: memref<128x128xf32, #tpu.memory_space<vmem>>, %arg9: memref<10240x128xf32, #tpu.memory_space<vmem_shared>>, %arg10: memref<!tpu.dma_semaphore, #tpu.memory_space<semaphore_mem>>) attributes {dimension_semantics = [#tpu.dimension_semantics<core_parallel>, #tpu.dimension_semantics<subcore_parallel>], iteration_bounds = array<i64: 2, 16>, scalar_prefetch = 0 : i64, scratch_operands = 5 : i64, tpu.core_type = #tpu.core_type<sc_vector_subcore>, window_params = [{transform_indices = #map}, {transform_indices = #map}, {transform_indices = #map}, {transform_indices = #map1}]} {
    %scan3A = arith.constant 0 : i32
    %scan3A_0 = arith.constant 0 : i32
    %scan3A_1 = arith.constant 128 : i32
    %scan3A_2 = arith.addi %scan3A_0, %scan3A_1 : i32
    %scan3A_3 = arith.constant 1 : i32
    %scan3A_4 = scf.for %scan3A_28 = %scan3A_0 to %scan3A_2 step %scan3A_3 iter_args(%scan3A_29 = %scan3A) -> (i32)  : i32 {
      %scan3A_30 = arith.constant 0 : i32
      %scan3A_31 = arith.constant 0 : i32
      %scan3A_32 = arith.constant 8 : i32
      %scan3A_33 = arith.addi %scan3A_31, %scan3A_32 : i32
      %scan3A_34 = arith.constant 1 : i32
      %scan3A_35 = scf.for %scan3A_38 = %scan3A_31 to %scan3A_33 step %scan3A_34 iter_args(%scan3A_39 = %scan3A_30) -> (i32)  : i32 {
        %broadcast_in_dim3A = arith.constant 0.000000e+00 : f32
        %broadcast_in_dim3A_40 = vector.broadcast %broadcast_in_dim3A : f32 to vector<16xf32>
        %mul3A = arith.constant 16 : i32
        %mul3A_41 = arith.muli %scan3A_38, %mul3A : i32
        %swap3A = arith.index_cast %scan3A_28 : i32 to index
        %swap3A_42 = arith.index_cast %mul3A_41 : i32 to index
        %swap3A_43 = tpu.vector_load %arg8[%swap3A, %swap3A_42] {strides = array<i32>} : memref<128x128xf32, #tpu.memory_space<vmem>>, vector<1x16xf32>,
        %swap3A_44 = vector.shape_cast %swap3A_43 : vector<1x16xf32> to vector<16xf32>
        %swap3A_45 = vector.shape_cast %broadcast_in_dim3A_40 : vector<16xf32> to vector<1x16xf32>
        tpu.vector_store %arg8[%swap3A, %swap3A_42], %swap3A_45 {strides = array<i32>} : memref<128x128xf32, #tpu.memory_space<vmem>>, vector<1x16xf32>,
        %scan3A_46 = arith.constant 0 : i32
        scf.yield %scan3A_46 : i32
      }
      %scan3A_36 = arith.constant 8 : i32
      %scan3A_37 = arith.constant 0 : i32
      scf.yield %scan3A_37 : i32
    }
    %scan3A_5 = arith.constant 128 : i32
    %scan3A_6 = arith.constant 0 : i32
    %scan3A_7 = arith.constant 0 : i32
    %scan3A_8 = arith.constant 5 : i32
    %scan3A_9 = arith.addi %scan3A_7, %scan3A_8 : i32
    %scan3A_10 = arith.constant 1 : i32
    %scan3A_11 = scf.for %scan3A_28 = %scan3A_7 to %scan3A_9 step %scan3A_10 iter_args(%scan3A_29 = %scan3A_6) -> (i32)  : i32 {
      %mul3A = arith.constant 640 : i32
      %mul3A_30 = arith.muli %arg1, %mul3A : i32
      %mul3A_31 = arith.constant 128 : i32
      %mul3A_32 = arith.muli %scan3A_28, %mul3A_31 : i32
      %add3A = arith.addi %mul3A_30, %mul3A_32 : i32
      "tpu.region"() ({
        %run_scoped3A = tpu.sem_alloc : memref<!tpu.dma_semaphore, #tpu.memory_space<semaphore_mem>>
        %dma_start3A = arith.constant 0 : i32
        %dma_start3A_34 = tpu.memref_slice %arg9[%add3A, %dma_start3A] : memref<10240x128xf32, #tpu.memory_space<vmem_shared>> -> memref<128x128xf32, #tpu.memory_space<vmem_shared>>
        %dma_start3A_35 = arith.constant 0 : i32
        %dma_start3A_36 = tpu.memref_slice %arg9[%add3A, %dma_start3A_35] : memref<10240x128xf32, #tpu.memory_space<vmem_shared>> -> memref<128x128xf32, #tpu.memory_space<vmem_shared>>
        tpu.enqueue_dma source(%arg8 : memref<128x128xf32, #tpu.memory_space<vmem>>) target(%dma_start3A_36 : memref<128x128xf32, #tpu.memory_space<vmem_shared>>) target_semaphore(%run_scoped3A : memref<!tpu.dma_semaphore, #tpu.memory_space<semaphore_mem>>)
        %dma_wait3A = arith.constant 0 : i32
        %dma_wait3A_37 = tpu.memref_slice %arg9[%add3A, %dma_wait3A] : memref<10240x128xf32, #tpu.memory_space<vmem_shared>> -> memref<128x128xf32, #tpu.memory_space<vmem_shared>>
        %dma_wait3A_38 = arith.constant 0 : i32
        %dma_wait3A_39 = tpu.memref_slice %arg9[%add3A, %dma_wait3A_38] : memref<10240x128xf32, #tpu.memory_space<vmem_shared>> -> memref<128x128xf32, #tpu.memory_space<vmem_shared>>
        tpu.wait_dma2 semaphore(%run_scoped3A : memref<!tpu.dma_semaphore, #tpu.memory_space<semaphore_mem>>) src(%arg8 : memref<128x128xf32, #tpu.memory_space<vmem>>) dst(%dma_wait3A_39 : memref<128x128xf32, #tpu.memory_space<vmem_shared>>)
        tpu.yield
      }) : () -> ()
      %scan3A_33 = arith.constant 0 : i32
      scf.yield %scan3A_33 : i32
    }
    %scan3A_12 = arith.constant 5 : i32
    %barrier3A = arith.constant 0 : index
    tpu.barrier barrier_id(%barrier3A)
    %eq3A = arith.constant 0 : i32
    %eq3A_13 = arith.cmpi eq, %arg0, %eq3A : i32
    %convert_element_type3A = arith.extui %eq3A_13 : i1 to i32
    %cond3A = arith.constant 0 : i32
    %cond3A_14 = arith.cmpi ne, %convert_element_type3A, %cond3A : i32
    scf.if %cond3A_14 {
      %mul3A = arith.constant 80 : i32
      %mul3A_28 = arith.muli %arg1, %mul3A : i32
      "tpu.region"() ({
        %run_scoped3A = tpu.sem_alloc : memref<!tpu.dma_semaphore, #tpu.memory_space<semaphore_mem>>
        %dma_start3A = arith.constant 0 : i32
        %dma_start3A_36 = arith.constant 0 : i32
        %dma_start3A_37 = tpu.memref_slice %arg6[%dma_start3A, %dma_start3A_36] : memref<80x128xi32, #tpu.memory_space<vmem>> -> memref<80x128xi32, #tpu.memory_space<vmem>>
        %dma_start3A_38 = arith.constant 0 : i32
        %dma_start3A_39 = tpu.memref_slice %arg2[%mul3A_28, %dma_start3A_38] : memref<2560x128xi32, #tpu.memory_space<hbm>> -> memref<80x128xi32, #tpu.memory_space<hbm>>
        %dma_start3A_40 = arith.constant 0 : i32
        %dma_start3A_41 = arith.constant 0 : i32
        %dma_start3A_42 = tpu.memref_slice %arg6[%dma_start3A_40, %dma_start3A_41] : memref<80x128xi32, #tpu.memory_space<vmem>> -> memref<80x128xi32, #tpu.memory_space<vmem>>
        %dma_start3A_43 = arith.constant 0 : i32
        %dma_start3A_44 = tpu.memref_slice %arg2[%mul3A_28, %dma_start3A_43] : memref<2560x128xi32, #tpu.memory_space<hbm>> -> memref<80x128xi32, #tpu.memory_space<hbm>>
        tpu.enqueue_dma source(%dma_start3A_44 : memref<80x128xi32, #tpu.memory_space<hbm>>) target(%dma_start3A_42 : memref<80x128xi32, #tpu.memory_space<vmem>>) target_semaphore(%run_scoped3A : memref<!tpu.dma_semaphore, #tpu.memory_space<semaphore_mem>>)
        %dma_wait3A = arith.constant 0 : i32
        %dma_wait3A_45 = arith.constant 0 : i32
        %dma_wait3A_46 = tpu.memref_slice %arg6[%dma_wait3A, %dma_wait3A_45] : memref<80x128xi32, #tpu.memory_space<vmem>> -> memref<80x128xi32, #tpu.memory_space<vmem>>
        %dma_wait3A_47 = arith.constant 0 : i32
        %dma_wait3A_48 = tpu.memref_slice %arg2[%mul3A_28, %dma_wait3A_47] : memref<2560x128xi32, #tpu.memory_space<hbm>> -> memref<80x128xi32, #tpu.memory_space<hbm>>
        %dma_wait3A_49 = arith.constant 0 : i32
        %dma_wait3A_50 = arith.constant 0 : i32
        %dma_wait3A_51 = tpu.memref_slice %arg6[%dma_wait3A_49, %dma_wait3A_50] : memref<80x128xi32, #tpu.memory_space<vmem>> -> memref<80x128xi32, #tpu.memory_space<vmem>>
        %dma_wait3A_52 = arith.constant 0 : i32
        %dma_wait3A_53 = tpu.memref_slice %arg2[%mul3A_28, %dma_wait3A_52] : memref<2560x128xi32, #tpu.memory_space<hbm>> -> memref<80x128xi32, #tpu.memory_space<hbm>>
        tpu.wait_dma2 semaphore(%run_scoped3A : memref<!tpu.dma_semaphore, #tpu.memory_space<semaphore_mem>>) src(%dma_wait3A_53 : memref<80x128xi32, #tpu.memory_space<hbm>>) dst(%dma_wait3A_51 : memref<80x128xi32, #tpu.memory_space<vmem>>)
        tpu.yield
      }) : () -> ()
      "tpu.region"() ({
        %run_scoped3A = tpu.sem_alloc : memref<!tpu.dma_semaphore, #tpu.memory_space<semaphore_mem>>
        %dma_start3A = arith.constant 0 : i32
        %dma_start3A_36 = arith.constant 0 : i32
        %dma_start3A_37 = tpu.memref_slice %arg7[%dma_start3A, %dma_start3A_36] : memref<80x128xi32, #tpu.memory_space<vmem>> -> memref<80x128xi32, #tpu.memory_space<vmem>>
        %dma_start3A_38 = arith.constant 0 : i32
        %dma_start3A_39 = tpu.memref_slice %arg3[%mul3A_28, %dma_start3A_38] : memref<2560x128xi32, #tpu.memory_space<hbm>> -> memref<80x128xi32, #tpu.memory_space<hbm>>
        %dma_start3A_40 = arith.constant 0 : i32
        %dma_start3A_41 = arith.constant 0 : i32
        %dma_start3A_42 = tpu.memref_slice %arg7[%dma_start3A_40, %dma_start3A_41] : memref<80x128xi32, #tpu.memory_space<vmem>> -> memref<80x128xi32, #tpu.memory_space<vmem>>
        %dma_start3A_43 = arith.constant 0 : i32
        %dma_start3A_44 = tpu.memref_slice %arg3[%mul3A_28, %dma_start3A_43] : memref<2560x128xi32, #tpu.memory_space<hbm>> -> memref<80x128xi32, #tpu.memory_space<hbm>>
        tpu.enqueue_dma source(%dma_start3A_44 : memref<80x128xi32, #tpu.memory_space<hbm>>) target(%dma_start3A_42 : memref<80x128xi32, #tpu.memory_space<vmem>>) target_semaphore(%run_scoped3A : memref<!tpu.dma_semaphore, #tpu.memory_space<semaphore_mem>>)
        %dma_wait3A = arith.constant 0 : i32
        %dma_wait3A_45 = arith.constant 0 : i32
        %dma_wait3A_46 = tpu.memref_slice %arg7[%dma_wait3A, %dma_wait3A_45] : memref<80x128xi32, #tpu.memory_space<vmem>> -> memref<80x128xi32, #tpu.memory_space<vmem>>
        %dma_wait3A_47 = arith.constant 0 : i32
        %dma_wait3A_48 = tpu.memref_slice %arg3[%mul3A_28, %dma_wait3A_47] : memref<2560x128xi32, #tpu.memory_space<hbm>> -> memref<80x128xi32, #tpu.memory_space<hbm>>
        %dma_wait3A_49 = arith.constant 0 : i32
        %dma_wait3A_50 = arith.constant 0 : i32
        %dma_wait3A_51 = tpu.memref_slice %arg7[%dma_wait3A_49, %dma_wait3A_50] : memref<80x128xi32, #tpu.memory_space<vmem>> -> memref<80x128xi32, #tpu.memory_space<vmem>>
        %dma_wait3A_52 = arith.constant 0 : i32
        %dma_wait3A_53 = tpu.memref_slice %arg3[%mul3A_28, %dma_wait3A_52] : memref<2560x128xi32, #tpu.memory_space<hbm>> -> memref<80x128xi32, #tpu.memory_space<hbm>>
        tpu.wait_dma2 semaphore(%run_scoped3A : memref<!tpu.dma_semaphore, #tpu.memory_space<semaphore_mem>>) src(%dma_wait3A_53 : memref<80x128xi32, #tpu.memory_space<hbm>>) dst(%dma_wait3A_51 : memref<80x128xi32, #tpu.memory_space<vmem>>)
        tpu.yield
      }) : () -> ()
      %scan3A_29 = arith.constant 0 : i32
      %scan3A_30 = arith.constant 0 : i32
      %scan3A_31 = arith.constant 80 : i32
      %scan3A_32 = arith.addi %scan3A_30, %scan3A_31 : i32
      %scan3A_33 = arith.constant 1 : i32
      %scan3A_34 = scf.for %scan3A_36 = %scan3A_30 to %scan3A_32 step %scan3A_33 iter_args(%scan3A_37 = %scan3A_29) -> (i32)  : i32 {
        %dma_start3A = arith.constant 0 : i32
        %dma_start3A_38 = tpu.memref_slice %arg6[%scan3A_36, %dma_start3A] : memref<80x128xi32, #tpu.memory_space<vmem>> -> memref<1x128xi32, #tpu.memory_space<vmem>>
        %dma_start3A_39 = tpu.memref_squeeze %dma_start3A_38 : memref<1x128xi32, #tpu.memory_space<vmem>> -> memref<128xi32, #tpu.memory_space<vmem>>
        %dma_start3A_40 = arith.constant 0 : i32
        %dma_start3A_41 = arith.constant 0 : i32
        %dma_start3A_42 = tpu.memref_slice %arg4[%dma_start3A_40, %dma_start3A_41] : memref<10240x128xf32, #tpu.memory_space<hbm>> -> memref<10240x128xf32, #tpu.memory_space<hbm>>
        tpu.enqueue_indirect_dma source(%dma_start3A_42 : memref<10240x128xf32, #tpu.memory_space<hbm>>) target(%arg8 : memref<128x128xf32, #tpu.memory_space<vmem>>) offsets(%dma_start3A_39 : memref<128xi32, #tpu.memory_space<vmem>>) semaphore(%arg10 : memref<!tpu.dma_semaphore, #tpu.memory_space<semaphore_mem>>)
        %dma_wait3A = arith.constant 0 : i32
        %dma_wait3A_43 = tpu.memref_slice %arg6[%scan3A_36, %dma_wait3A] : memref<80x128xi32, #tpu.memory_space<vmem>> -> memref<1x128xi32, #tpu.memory_space<vmem>>
        %dma_wait3A_44 = tpu.memref_squeeze %dma_wait3A_43 : memref<1x128xi32, #tpu.memory_space<vmem>> -> memref<128xi32, #tpu.memory_space<vmem>>
        %dma_wait3A_45 = arith.constant 0 : i32
        %dma_wait3A_46 = arith.constant 0 : i32
        %dma_wait3A_47 = tpu.memref_slice %arg4[%dma_wait3A_45, %dma_wait3A_46] : memref<10240x128xf32, #tpu.memory_space<hbm>> -> memref<10240x128xf32, #tpu.memory_space<hbm>>
        tpu.wait_indirect_dma semaphore(%arg10 : memref<!tpu.dma_semaphore, #tpu.memory_space<semaphore_mem>>) src(%dma_wait3A_47 : memref<10240x128xf32, #tpu.memory_space<hbm>>) dst(%arg8 : memref<128x128xf32, #tpu.memory_space<vmem>>)
        "tpu.region"() ({
          %run_scoped3A = tpu.sem_alloc : memref<!tpu.dma_semaphore, #tpu.memory_space<semaphore_mem>>
          %dma_start3A_49 = arith.constant 0 : i32
          %dma_start3A_50 = tpu.memref_slice %arg7[%scan3A_36, %dma_start3A_49] : memref<80x128xi32, #tpu.memory_space<vmem>> -> memref<1x128xi32, #tpu.memory_space<vmem>>
          %dma_start3A_51 = tpu.memref_squeeze %dma_start3A_50 : memref<1x128xi32, #tpu.memory_space<vmem>> -> memref<128xi32, #tpu.memory_space<vmem>>
          %dma_start3A_52 = arith.constant 0 : i32
          %dma_start3A_53 = arith.constant 0 : i32
          %dma_start3A_54 = tpu.memref_slice %arg9[%dma_start3A_52, %dma_start3A_53] : memref<10240x128xf32, #tpu.memory_space<vmem_shared>> -> memref<10240x128xf32, #tpu.memory_space<vmem_shared>>
          tpu.enqueue_indirect_dma source(%arg8 : memref<128x128xf32, #tpu.memory_space<vmem>>) target(%dma_start3A_54 : memref<10240x128xf32, #tpu.memory_space<vmem_shared>>) offsets(%dma_start3A_51 : memref<128xi32, #tpu.memory_space<vmem>>) semaphore(%run_scoped3A : memref<!tpu.dma_semaphore, #tpu.memory_space<semaphore_mem>>) {add = true}
          %dma_wait3A_55 = arith.constant 0 : i32
          %dma_wait3A_56 = tpu.memref_slice %arg7[%scan3A_36, %dma_wait3A_55] : memref<80x128xi32, #tpu.memory_space<vmem>> -> memref<1x128xi32, #tpu.memory_space<vmem>>
          %dma_wait3A_57 = tpu.memref_squeeze %dma_wait3A_56 : memref<1x128xi32, #tpu.memory_space<vmem>> -> memref<128xi32, #tpu.memory_space<vmem>>
          %dma_wait3A_58 = arith.constant 0 : i32
          %dma_wait3A_59 = arith.constant 0 : i32
          %dma_wait3A_60 = tpu.memref_slice %arg9[%dma_wait3A_58, %dma_wait3A_59] : memref<10240x128xf32, #tpu.memory_space<vmem_shared>> -> memref<10240x128xf32, #tpu.memory_space<vmem_shared>>
          tpu.wait_indirect_dma semaphore(%run_scoped3A : memref<!tpu.dma_semaphore, #tpu.memory_space<semaphore_mem>>) src(%arg8 : memref<128x128xf32, #tpu.memory_space<vmem>>) dst(%dma_wait3A_60 : memref<10240x128xf32, #tpu.memory_space<vmem_shared>>)
          tpu.yield
        }) : () -> ()
        %scan3A_48 = arith.constant 0 : i32
        scf.yield %scan3A_48 : i32
      }
      %scan3A_35 = arith.constant 80 : i32
    } else {
    }
    %eq3A_15 = arith.constant 1 : i32
    %eq3A_16 = arith.cmpi eq, %arg0, %eq3A_15 : i32
    %convert_element_type3A_17 = arith.extui %eq3A_16 : i1 to i32
    %cond3A_18 = arith.constant 0 : i32
    %cond3A_19 = arith.cmpi ne, %convert_element_type3A_17, %cond3A_18 : i32
    scf.if %cond3A_19 {
      %mul3A = arith.constant 80 : i32
      %mul3A_28 = arith.muli %arg1, %mul3A : i32
      %add3A = arith.constant 1280 : i32
      %add3A_29 = arith.addi %add3A, %mul3A_28 : i32
      "tpu.region"() ({
        %run_scoped3A = tpu.sem_alloc : memref<!tpu.dma_semaphore, #tpu.memory_space<semaphore_mem>>
        %dma_start3A = arith.constant 0 : i32
        %dma_start3A_37 = arith.constant 0 : i32
        %dma_start3A_38 = tpu.memref_slice %arg6[%dma_start3A, %dma_start3A_37] : memref<80x128xi32, #tpu.memory_space<vmem>> -> memref<80x128xi32, #tpu.memory_space<vmem>>
        %dma_start3A_39 = arith.constant 0 : i32
        %dma_start3A_40 = tpu.memref_slice %arg2[%add3A_29, %dma_start3A_39] : memref<2560x128xi32, #tpu.memory_space<hbm>> -> memref<80x128xi32, #tpu.memory_space<hbm>>
        %dma_start3A_41 = arith.constant 0 : i32
        %dma_start3A_42 = arith.constant 0 : i32
        %dma_start3A_43 = tpu.memref_slice %arg6[%dma_start3A_41, %dma_start3A_42] : memref<80x128xi32, #tpu.memory_space<vmem>> -> memref<80x128xi32, #tpu.memory_space<vmem>>
        %dma_start3A_44 = arith.constant 0 : i32
        %dma_start3A_45 = tpu.memref_slice %arg2[%add3A_29, %dma_start3A_44] : memref<2560x128xi32, #tpu.memory_space<hbm>> -> memref<80x128xi32, #tpu.memory_space<hbm>>
        tpu.enqueue_dma source(%dma_start3A_45 : memref<80x128xi32, #tpu.memory_space<hbm>>) target(%dma_start3A_43 : memref<80x128xi32, #tpu.memory_space<vmem>>) target_semaphore(%run_scoped3A : memref<!tpu.dma_semaphore, #tpu.memory_space<semaphore_mem>>)
        %dma_wait3A = arith.constant 0 : i32
        %dma_wait3A_46 = arith.constant 0 : i32
        %dma_wait3A_47 = tpu.memref_slice %arg6[%dma_wait3A, %dma_wait3A_46] : memref<80x128xi32, #tpu.memory_space<vmem>> -> memref<80x128xi32, #tpu.memory_space<vmem>>
        %dma_wait3A_48 = arith.constant 0 : i32
        %dma_wait3A_49 = tpu.memref_slice %arg2[%add3A_29, %dma_wait3A_48] : memref<2560x128xi32, #tpu.memory_space<hbm>> -> memref<80x128xi32, #tpu.memory_space<hbm>>
        %dma_wait3A_50 = arith.constant 0 : i32
        %dma_wait3A_51 = arith.constant 0 : i32
        %dma_wait3A_52 = tpu.memref_slice %arg6[%dma_wait3A_50, %dma_wait3A_51] : memref<80x128xi32, #tpu.memory_space<vmem>> -> memref<80x128xi32, #tpu.memory_space<vmem>>
        %dma_wait3A_53 = arith.constant 0 : i32
        %dma_wait3A_54 = tpu.memref_slice %arg2[%add3A_29, %dma_wait3A_53] : memref<2560x128xi32, #tpu.memory_space<hbm>> -> memref<80x128xi32, #tpu.memory_space<hbm>>
        tpu.wait_dma2 semaphore(%run_scoped3A : memref<!tpu.dma_semaphore, #tpu.memory_space<semaphore_mem>>) src(%dma_wait3A_54 : memref<80x128xi32, #tpu.memory_space<hbm>>) dst(%dma_wait3A_52 : memref<80x128xi32, #tpu.memory_space<vmem>>)
        tpu.yield
      }) : () -> ()
      "tpu.region"() ({
        %run_scoped3A = tpu.sem_alloc : memref<!tpu.dma_semaphore, #tpu.memory_space<semaphore_mem>>
        %dma_start3A = arith.constant 0 : i32
        %dma_start3A_37 = arith.constant 0 : i32
        %dma_start3A_38 = tpu.memref_slice %arg7[%dma_start3A, %dma_start3A_37] : memref<80x128xi32, #tpu.memory_space<vmem>> -> memref<80x128xi32, #tpu.memory_space<vmem>>
        %dma_start3A_39 = arith.constant 0 : i32
        %dma_start3A_40 = tpu.memref_slice %arg3[%add3A_29, %dma_start3A_39] : memref<2560x128xi32, #tpu.memory_space<hbm>> -> memref<80x128xi32, #tpu.memory_space<hbm>>
        %dma_start3A_41 = arith.constant 0 : i32
        %dma_start3A_42 = arith.constant 0 : i32
        %dma_start3A_43 = tpu.memref_slice %arg7[%dma_start3A_41, %dma_start3A_42] : memref<80x128xi32, #tpu.memory_space<vmem>> -> memref<80x128xi32, #tpu.memory_space<vmem>>
        %dma_start3A_44 = arith.constant 0 : i32
        %dma_start3A_45 = tpu.memref_slice %arg3[%add3A_29, %dma_start3A_44] : memref<2560x128xi32, #tpu.memory_space<hbm>> -> memref<80x128xi32, #tpu.memory_space<hbm>>
        tpu.enqueue_dma source(%dma_start3A_45 : memref<80x128xi32, #tpu.memory_space<hbm>>) target(%dma_start3A_43 : memref<80x128xi32, #tpu.memory_space<vmem>>) target_semaphore(%run_scoped3A : memref<!tpu.dma_semaphore, #tpu.memory_space<semaphore_mem>>)
        %dma_wait3A = arith.constant 0 : i32
        %dma_wait3A_46 = arith.constant 0 : i32
        %dma_wait3A_47 = tpu.memref_slice %arg7[%dma_wait3A, %dma_wait3A_46] : memref<80x128xi32, #tpu.memory_space<vmem>> -> memref<80x128xi32, #tpu.memory_space<vmem>>
        %dma_wait3A_48 = arith.constant 0 : i32
        %dma_wait3A_49 = tpu.memref_slice %arg3[%add3A_29, %dma_wait3A_48] : memref<2560x128xi32, #tpu.memory_space<hbm>> -> memref<80x128xi32, #tpu.memory_space<hbm>>
        %dma_wait3A_50 = arith.constant 0 : i32
        %dma_wait3A_51 = arith.constant 0 : i32
        %dma_wait3A_52 = tpu.memref_slice %arg7[%dma_wait3A_50, %dma_wait3A_51] : memref<80x128xi32, #tpu.memory_space<vmem>> -> memref<80x128xi32, #tpu.memory_space<vmem>>
        %dma_wait3A_53 = arith.constant 0 : i32
        %dma_wait3A_54 = tpu.memref_slice %arg3[%add3A_29, %dma_wait3A_53] : memref<2560x128xi32, #tpu.memory_space<hbm>> -> memref<80x128xi32, #tpu.memory_space<hbm>>
        tpu.wait_dma2 semaphore(%run_scoped3A : memref<!tpu.dma_semaphore, #tpu.memory_space<semaphore_mem>>) src(%dma_wait3A_54 : memref<80x128xi32, #tpu.memory_space<hbm>>) dst(%dma_wait3A_52 : memref<80x128xi32, #tpu.memory_space<vmem>>)
        tpu.yield
      }) : () -> ()
      %scan3A_30 = arith.constant 0 : i32
      %scan3A_31 = arith.constant 0 : i32
      %scan3A_32 = arith.constant 80 : i32
      %scan3A_33 = arith.addi %scan3A_31, %scan3A_32 : i32
      %scan3A_34 = arith.constant 1 : i32
      %scan3A_35 = scf.for %scan3A_37 = %scan3A_31 to %scan3A_33 step %scan3A_34 iter_args(%scan3A_38 = %scan3A_30) -> (i32)  : i32 {
        %dma_start3A = arith.constant 0 : i32
        %dma_start3A_39 = tpu.memref_slice %arg6[%scan3A_37, %dma_start3A] : memref<80x128xi32, #tpu.memory_space<vmem>> -> memref<1x128xi32, #tpu.memory_space<vmem>>
        %dma_start3A_40 = tpu.memref_squeeze %dma_start3A_39 : memref<1x128xi32, #tpu.memory_space<vmem>> -> memref<128xi32, #tpu.memory_space<vmem>>
        %dma_start3A_41 = arith.constant 0 : i32
        %dma_start3A_42 = arith.constant 0 : i32
        %dma_start3A_43 = tpu.memref_slice %arg4[%dma_start3A_41, %dma_start3A_42] : memref<10240x128xf32, #tpu.memory_space<hbm>> -> memref<10240x128xf32, #tpu.memory_space<hbm>>
        tpu.enqueue_indirect_dma source(%dma_start3A_43 : memref<10240x128xf32, #tpu.memory_space<hbm>>) target(%arg8 : memref<128x128xf32, #tpu.memory_space<vmem>>) offsets(%dma_start3A_40 : memref<128xi32, #tpu.memory_space<vmem>>) semaphore(%arg10 : memref<!tpu.dma_semaphore, #tpu.memory_space<semaphore_mem>>)
        %dma_wait3A = arith.constant 0 : i32
        %dma_wait3A_44 = tpu.memref_slice %arg6[%scan3A_37, %dma_wait3A] : memref<80x128xi32, #tpu.memory_space<vmem>> -> memref<1x128xi32, #tpu.memory_space<vmem>>
        %dma_wait3A_45 = tpu.memref_squeeze %dma_wait3A_44 : memref<1x128xi32, #tpu.memory_space<vmem>> -> memref<128xi32, #tpu.memory_space<vmem>>
        %dma_wait3A_46 = arith.constant 0 : i32
        %dma_wait3A_47 = arith.constant 0 : i32
        %dma_wait3A_48 = tpu.memref_slice %arg4[%dma_wait3A_46, %dma_wait3A_47] : memref<10240x128xf32, #tpu.memory_space<hbm>> -> memref<10240x128xf32, #tpu.memory_space<hbm>>
        tpu.wait_indirect_dma semaphore(%arg10 : memref<!tpu.dma_semaphore, #tpu.memory_space<semaphore_mem>>) src(%dma_wait3A_48 : memref<10240x128xf32, #tpu.memory_space<hbm>>) dst(%arg8 : memref<128x128xf32, #tpu.memory_space<vmem>>)
        "tpu.region"() ({
          %run_scoped3A = tpu.sem_alloc : memref<!tpu.dma_semaphore, #tpu.memory_space<semaphore_mem>>
          %dma_start3A_50 = arith.constant 0 : i32
          %dma_start3A_51 = tpu.memref_slice %arg7[%scan3A_37, %dma_start3A_50] : memref<80x128xi32, #tpu.memory_space<vmem>> -> memref<1x128xi32, #tpu.memory_space<vmem>>
          %dma_start3A_52 = tpu.memref_squeeze %dma_start3A_51 : memref<1x128xi32, #tpu.memory_space<vmem>> -> memref<128xi32, #tpu.memory_space<vmem>>
          %dma_start3A_53 = arith.constant 0 : i32
          %dma_start3A_54 = arith.constant 0 : i32
          %dma_start3A_55 = tpu.memref_slice %arg9[%dma_start3A_53, %dma_start3A_54] : memref<10240x128xf32, #tpu.memory_space<vmem_shared>> -> memref<10240x128xf32, #tpu.memory_space<vmem_shared>>
          tpu.enqueue_indirect_dma source(%arg8 : memref<128x128xf32, #tpu.memory_space<vmem>>) target(%dma_start3A_55 : memref<10240x128xf32, #tpu.memory_space<vmem_shared>>) offsets(%dma_start3A_52 : memref<128xi32, #tpu.memory_space<vmem>>) semaphore(%run_scoped3A : memref<!tpu.dma_semaphore, #tpu.memory_space<semaphore_mem>>) {add = true}
          %dma_wait3A_56 = arith.constant 0 : i32
          %dma_wait3A_57 = tpu.memref_slice %arg7[%scan3A_37, %dma_wait3A_56] : memref<80x128xi32, #tpu.memory_space<vmem>> -> memref<1x128xi32, #tpu.memory_space<vmem>>
          %dma_wait3A_58 = tpu.memref_squeeze %dma_wait3A_57 : memref<1x128xi32, #tpu.memory_space<vmem>> -> memref<128xi32, #tpu.memory_space<vmem>>
          %dma_wait3A_59 = arith.constant 0 : i32
          %dma_wait3A_60 = arith.constant 0 : i32
          %dma_wait3A_61 = tpu.memref_slice %arg9[%dma_wait3A_59, %dma_wait3A_60] : memref<10240x128xf32, #tpu.memory_space<vmem_shared>> -> memref<10240x128xf32, #tpu.memory_space<vmem_shared>>
          tpu.wait_indirect_dma semaphore(%run_scoped3A : memref<!tpu.dma_semaphore, #tpu.memory_space<semaphore_mem>>) src(%arg8 : memref<128x128xf32, #tpu.memory_space<vmem>>) dst(%dma_wait3A_61 : memref<10240x128xf32, #tpu.memory_space<vmem_shared>>)
          tpu.yield
        }) : () -> ()
        %scan3A_49 = arith.constant 0 : i32
        scf.yield %scan3A_49 : i32
      }
      %scan3A_36 = arith.constant 80 : i32
    } else {
    }
    %barrier3A_20 = arith.constant 0 : index
    tpu.barrier barrier_id(%barrier3A_20)
    %scan3A_21 = arith.constant 0 : i32
    %scan3A_22 = arith.constant 0 : i32
    %scan3A_23 = arith.constant 5 : i32
    %scan3A_24 = arith.addi %scan3A_22, %scan3A_23 : i32
    %scan3A_25 = arith.constant 1 : i32
    %scan3A_26 = scf.for %scan3A_28 = %scan3A_22 to %scan3A_24 step %scan3A_25 iter_args(%scan3A_29 = %scan3A_21) -> (i32)  : i32 {
      %mul3A = arith.constant 640 : i32
      %mul3A_30 = arith.muli %arg1, %mul3A : i32
      %mul3A_31 = arith.constant 128 : i32
      %mul3A_32 = arith.muli %scan3A_28, %mul3A_31 : i32
      %add3A = arith.addi %mul3A_30, %mul3A_32 : i32
      "tpu.region"() ({
        %run_scoped3A = tpu.sem_alloc : memref<!tpu.dma_semaphore, #tpu.memory_space<semaphore_mem>>
        %dma_start3A = arith.constant 0 : i32
        %dma_start3A_34 = tpu.memref_slice %arg5[%arg0, %add3A, %dma_start3A] : memref<2x10240x128xf32, #tpu.memory_space<hbm>> -> memref<1x128x128xf32, #tpu.memory_space<hbm>>
        %dma_start3A_35 = tpu.memref_squeeze %dma_start3A_34 : memref<1x128x128xf32, #tpu.memory_space<hbm>> -> memref<128x128xf32, #tpu.memory_space<hbm>>
        %dma_start3A_36 = arith.constant 0 : i32
        %dma_start3A_37 = tpu.memref_slice %arg9[%add3A, %dma_start3A_36] : memref<10240x128xf32, #tpu.memory_space<vmem_shared>> -> memref<128x128xf32, #tpu.memory_space<vmem_shared>>
        tpu.enqueue_dma source(%dma_start3A_37 : memref<128x128xf32, #tpu.memory_space<vmem_shared>>) target(%dma_start3A_35 : memref<128x128xf32, #tpu.memory_space<hbm>>) target_semaphore(%run_scoped3A : memref<!tpu.dma_semaphore, #tpu.memory_space<semaphore_mem>>)
        %dma_wait3A = arith.constant 0 : i32
        %dma_wait3A_38 = tpu.memref_slice %arg5[%arg0, %add3A, %dma_wait3A] : memref<2x10240x128xf32, #tpu.memory_space<hbm>> -> memref<1x128x128xf32, #tpu.memory_space<hbm>>
        %dma_wait3A_39 = tpu.memref_squeeze %dma_wait3A_38 : memref<1x128x128xf32, #tpu.memory_space<hbm>> -> memref<128x128xf32, #tpu.memory_space<hbm>>
        %dma_wait3A_40 = arith.constant 0 : i32
        %dma_wait3A_41 = tpu.memref_slice %arg9[%add3A, %dma_wait3A_40] : memref<10240x128xf32, #tpu.memory_space<vmem_shared>> -> memref<128x128xf32, #tpu.memory_space<vmem_shared>>
        tpu.wait_dma2 semaphore(%run_scoped3A : memref<!tpu.dma_semaphore, #tpu.memory_space<semaphore_mem>>) src(%dma_wait3A_41 : memref<128x128xf32, #tpu.memory_space<vmem_shared>>) dst(%dma_wait3A_39 : memref<128x128xf32, #tpu.memory_space<hbm>>)
        tpu.yield
      }) : () -> ()
      %scan3A_33 = arith.constant 0 : i32
      scf.yield %scan3A_33 : i32
    }
    %scan3A_27 = arith.constant 5 : i32
    return
  }
}

module attributes {stable_mosaic.version = 14 : i64} {
  func.func @_tc1_body(%arg0: i32, %arg1: memref<2048x128xf32, #tpu.memory_space<vmem>>, %arg2: memref<128x128xf32, #tpu.memory_space<vmem>>, %arg3: memref<2x2048x1xf32, #tpu.memory_space<vmem>>, %arg4: memref<1x128xf32, #tpu.memory_space<vmem>>, %arg5: memref<2048x128xf32, #tpu.memory_space<vmem>>, %arg6: memref<2048x128xf32, #tpu.memory_space<vmem>>, %arg7: memref<2048x1xf32, #tpu.memory_space<vmem>>) attributes {dimension_semantics = [#tpu.dimension_semantics<arbitrary>], iteration_bounds = array<i64: 5>, scalar_prefetch = 0 : i64, scratch_operands = 0 : i64, tpu.core_type = #tpu.core_type<tc>, window_params = [{transform_indices = @transform_0, window_bounds = array<i64: 2048, 128>}, {pipeline_mode = #tpu.pipeline_mode<synchronous>, transform_indices = @transform_1, window_bounds = array<i64: 128, 128>}, {transform_indices = @transform_2, window_bounds = array<i64: 2, 2048, 1>}, {pipeline_mode = #tpu.pipeline_mode<synchronous>, transform_indices = @transform_3, window_bounds = array<i64: 1, 128>}, {transform_indices = @transform_4, window_bounds = array<i64: 2048, 128>}, {transform_indices = @transform_5, window_bounds = array<i64: 2048, 128>}, {transform_indices = @transform_6, window_bounds = array<i64: 2048, 1>}]} {
    %get3A = arith.constant 0 : index
    %get3A_0 = arith.constant 0 : index
    %get3A_1 = vector.load %arg1[%get3A, %get3A_0] : memref<2048x128xf32, #tpu.memory_space<vmem>>, vector<2048x128xf32>
    %get3A_2 = arith.constant 0 : index
    %get3A_3 = arith.constant 0 : index
    %get3A_4 = vector.load %arg2[%get3A_2, %get3A_3] : memref<128x128xf32, #tpu.memory_space<vmem>>, vector<128x128xf32>
    %dot_general3A = arith.constant dense<0.000000e+00> : vector<2048x128xf32>
    %dot_general3A_5 = tpu.matmul %get3A_1, %get3A_4, %dot_general3A {dimension_numbers = #tpu.dot_dimension_numbers<[1], [0], [0], [1], [0, 0, 1, 1], [], []>, transpose_lhs_hint = false} : vector<2048x128xf32>, vector<128x128xf32>, vector<2048x128xf32> -> vector<2048x128xf32>
    %get3A_6 = arith.constant 0 : index
    %get3A_7 = arith.constant 0 : index
    %get3A_8 = arith.constant 0 : index
    %get3A_9 = vector.load %arg3[%get3A_6, %get3A_7, %get3A_8] : memref<2x2048x1xf32, #tpu.memory_space<vmem>>, vector<1x2048x1xf32>
    %get3A_10 = vector.shape_cast %get3A_9 : vector<1x2048x1xf32> to vector<2048x1xf32>
    %get3A_11 = arith.constant 1 : index
    %get3A_12 = arith.constant 0 : index
    %get3A_13 = arith.constant 0 : index
    %get3A_14 = vector.load %arg3[%get3A_11, %get3A_12, %get3A_13] : memref<2x2048x1xf32, #tpu.memory_space<vmem>>, vector<1x2048x1xf32>
    %get3A_15 = vector.shape_cast %get3A_14 : vector<1x2048x1xf32> to vector<2048x1xf32>
    %add3A = arith.addf %get3A_10, %get3A_15 : vector<2048x1xf32>
    %add3A_16 = arith.constant 1.000000e+00 : f32
    %add3A_17 = vector.broadcast %add3A_16 : f32 to vector<2048x1xf32>
    %add3A_18 = arith.addf %add3A, %add3A_17 : vector<2048x1xf32>
    %rsqrt3A = math.rsqrt %add3A_18 : vector<2048x1xf32>
    %mul3A = vector.broadcast %rsqrt3A : vector<2048x1xf32> to vector<2048x128xf32>
    %mul3A_19 = arith.mulf %mul3A, %dot_general3A_5 : vector<2048x128xf32>
    %swap3A = arith.constant 0 : index
    %swap3A_20 = arith.constant 0 : index
    %swap3A_21 = vector.load %arg5[%swap3A, %swap3A_20] : memref<2048x128xf32, #tpu.memory_space<vmem>>, vector<2048x128xf32>
    tpu.vector_store %arg5[%swap3A, %swap3A_20], %mul3A_19 {strides = array<i32>} : memref<2048x128xf32, #tpu.memory_space<vmem>>, vector<2048x128xf32>,
    %mul3A_22 = vector.broadcast %rsqrt3A : vector<2048x1xf32> to vector<2048x128xf32>
    %mul3A_23 = arith.mulf %mul3A_22, %mul3A_19 : vector<2048x128xf32>
    %get3A_24 = arith.constant 0 : index
    %get3A_25 = arith.constant 0 : index
    %get3A_26 = vector.load %arg4[%get3A_24, %get3A_25] : memref<1x128xf32, #tpu.memory_space<vmem>>, vector<1x128xf32>
    %add3A_27 = vector.broadcast %get3A_26 : vector<1x128xf32> to vector<2048x128xf32>
    %add3A_28 = arith.addf %mul3A_23, %add3A_27 : vector<2048x128xf32>
    %swap3A_29 = arith.constant 0 : index
    %swap3A_30 = arith.constant 0 : index
    %swap3A_31 = vector.load %arg6[%swap3A_29, %swap3A_30] : memref<2048x128xf32, #tpu.memory_space<vmem>>, vector<2048x128xf32>
    tpu.vector_store %arg6[%swap3A_29, %swap3A_30], %add3A_28 {strides = array<i32>} : memref<2048x128xf32, #tpu.memory_space<vmem>>, vector<2048x128xf32>,
    %swap3A_32 = arith.constant 0 : index
    %swap3A_33 = arith.constant 0 : index
    %swap3A_34 = vector.load %arg7[%swap3A_32, %swap3A_33] : memref<2048x1xf32, #tpu.memory_space<vmem>>, vector<2048x1xf32>
    tpu.vector_store %arg7[%swap3A_32, %swap3A_33], %rsqrt3A {strides = array<i32>} : memref<2048x1xf32, #tpu.memory_space<vmem>>, vector<2048x1xf32>,
    return
  }
  func.func @transform_0(%arg0: i32) -> (i32, i32) {
    %c0_i32 = arith.constant 0 : i32
    %c0_i32_0 = arith.constant 0 : i32
    return %arg0, %c0_i32 : i32, i32
  }
  func.func @transform_1(%arg0: i32) -> (i32, i32) {
    %c0_i32 = arith.constant 0 : i32
    %c0_i32_0 = arith.constant 0 : i32
    %c0_i32_1 = arith.constant 0 : i32
    return %c0_i32, %c0_i32_0 : i32, i32
  }
  func.func @transform_2(%arg0: i32) -> (i32, i32, i32) {
    %c0_i32 = arith.constant 0 : i32
    %c0_i32_0 = arith.constant 0 : i32
    %c0_i32_1 = arith.constant 0 : i32
    return %c0_i32, %arg0, %c0_i32_0 : i32, i32, i32
  }
  func.func @transform_3(%arg0: i32) -> (i32, i32) {
    %c0_i32 = arith.constant 0 : i32
    %c0_i32_0 = arith.constant 0 : i32
    %c0_i32_1 = arith.constant 0 : i32
    return %c0_i32, %c0_i32_0 : i32, i32
  }
  func.func @transform_4(%arg0: i32) -> (i32, i32) {
    %c0_i32 = arith.constant 0 : i32
    %c0_i32_0 = arith.constant 0 : i32
    return %arg0, %c0_i32 : i32, i32
  }
  func.func @transform_5(%arg0: i32) -> (i32, i32) {
    %c0_i32 = arith.constant 0 : i32
    %c0_i32_0 = arith.constant 0 : i32
    return %arg0, %c0_i32 : i32, i32
  }
  func.func @transform_6(%arg0: i32) -> (i32, i32) {
    %c0_i32 = arith.constant 0 : i32
    %c0_i32_0 = arith.constant 0 : i32
    return %arg0, %c0_i32 : i32, i32
  }
}

module attributes {stable_mosaic.version = 14 : i64} {
  func.func @_tc2_body(%arg0: i32, %arg1: memref<2x2048x128xf32, #tpu.memory_space<vmem>>, %arg2: memref<2048x128xf32, #tpu.memory_space<vmem>>, %arg3: memref<2048x1xf32, #tpu.memory_space<vmem>>, %arg4: memref<2048x128xf32, #tpu.memory_space<vmem>>) attributes {dimension_semantics = [#tpu.dimension_semantics<arbitrary>], iteration_bounds = array<i64: 5>, scalar_prefetch = 0 : i64, scratch_operands = 0 : i64, tpu.core_type = #tpu.core_type<tc>, window_params = [{transform_indices = @transform_0, window_bounds = array<i64: 2, 2048, 128>}, {transform_indices = @transform_1, window_bounds = array<i64: 2048, 128>}, {transform_indices = @transform_2, window_bounds = array<i64: 2048, 1>}, {transform_indices = @transform_3, window_bounds = array<i64: 2048, 128>}]} {
    %get3A = arith.constant 0 : index
    %get3A_0 = arith.constant 0 : index
    %get3A_1 = vector.load %arg3[%get3A, %get3A_0] : memref<2048x1xf32, #tpu.memory_space<vmem>>, vector<2048x1xf32>
    %get3A_2 = arith.constant 0 : index
    %get3A_3 = arith.constant 0 : index
    %get3A_4 = arith.constant 0 : index
    %get3A_5 = vector.load %arg1[%get3A_2, %get3A_3, %get3A_4] : memref<2x2048x128xf32, #tpu.memory_space<vmem>>, vector<1x2048x128xf32>
    %get3A_6 = vector.shape_cast %get3A_5 : vector<1x2048x128xf32> to vector<2048x128xf32>
    %get3A_7 = arith.constant 1 : index
    %get3A_8 = arith.constant 0 : index
    %get3A_9 = arith.constant 0 : index
    %get3A_10 = vector.load %arg1[%get3A_7, %get3A_8, %get3A_9] : memref<2x2048x128xf32, #tpu.memory_space<vmem>>, vector<1x2048x128xf32>
    %get3A_11 = vector.shape_cast %get3A_10 : vector<1x2048x128xf32> to vector<2048x128xf32>
    %add3A = arith.addf %get3A_6, %get3A_11 : vector<2048x128xf32>
    %mul3A = vector.broadcast %get3A_1 : vector<2048x1xf32> to vector<2048x128xf32>
    %mul3A_12 = arith.mulf %mul3A, %add3A : vector<2048x128xf32>
    %get3A_13 = arith.constant 0 : index
    %get3A_14 = arith.constant 0 : index
    %get3A_15 = vector.load %arg2[%get3A_13, %get3A_14] : memref<2048x128xf32, #tpu.memory_space<vmem>>, vector<2048x128xf32>
    %add3A_16 = arith.addf %mul3A_12, %get3A_15 : vector<2048x128xf32>
    %swap3A = arith.constant 0 : index
    %swap3A_17 = arith.constant 0 : index
    %swap3A_18 = vector.load %arg4[%swap3A, %swap3A_17] : memref<2048x128xf32, #tpu.memory_space<vmem>>, vector<2048x128xf32>
    tpu.vector_store %arg4[%swap3A, %swap3A_17], %add3A_16 {strides = array<i32>} : memref<2048x128xf32, #tpu.memory_space<vmem>>, vector<2048x128xf32>,
    return
  }
  func.func @transform_0(%arg0: i32) -> (i32, i32, i32) {
    %c0_i32 = arith.constant 0 : i32
    %c0_i32_0 = arith.constant 0 : i32
    %c0_i32_1 = arith.constant 0 : i32
    return %c0_i32, %arg0, %c0_i32_0 : i32, i32, i32
  }
  func.func @transform_1(%arg0: i32) -> (i32, i32) {
    %c0_i32 = arith.constant 0 : i32
    %c0_i32_0 = arith.constant 0 : i32
    return %arg0, %c0_i32 : i32, i32
  }
  func.func @transform_2(%arg0: i32) -> (i32, i32) {
    %c0_i32 = arith.constant 0 : i32
    %c0_i32_0 = arith.constant 0 : i32
    return %arg0, %c0_i32 : i32, i32
  }
  func.func @transform_3(%arg0: i32) -> (i32, i32) {
    %c0_i32 = arith.constant 0 : i32
    %c0_i32_0 = arith.constant 0 : i32
    return %arg0, %c0_i32 : i32, i32
  }
}

</mosaic_0001>

<sc_bundles>
// kernel: kernel.6.cloned.1.call-start
scs
__scs_entry_jumppad:
0x0: {  	(pc) =	sbr.rel $0x88, $3  }
0x1: {  	(tag) =	ssettag $0x0;
	lr =	simm.s32 $0x1  }
0x2: {  	[smem:$0x3F9D] =	sst lr;
	_ =	strace $0xD0000000  }
0x3: {  	_ = 	snop  }
0x4: {  	_ = 	snop  }
0x5: {  	_ = 	snop  }
0x6: {  	_ = 	snop  }
0x7: {  	_ = 	snop  }
__scs_overlays_trampoline_lowered:
0x8: {  	[smem:$0x3FAC] =	sst s0  }
0x9: {  	[smem:$0x3FAD] =	sst s1  }
0xa: {  	[smem:$0x3FAE] =	sst s2  }
0xb: {  	[smem:$0x3FAF] =	sst s3  }
0xc: {  	[smem:$0x3FB0] =	sst s4  }
0xd: {  	[smem:$0x3FB1] =	sst s5  }
0xe: {  	[smem:$0x3FB2] =	sst s6  }
0xf: {  	[smem:$0x3FB3] =	sst s7  }
0x10: {  	[smem:$0x3FB4] =	sst s8  }
0x11: {  	[smem:$0x3FB5] =	sst s9;
	s0 =	simm.s32 @!p0 $0x0  }
0x12: {  	s1 =	sld [smem:$0x3F9B];
	s0 =	simm.s32 @p0 $0x1  }
0x13: {  	[smem:$0x3FB6] =	sst s0;
	s0 =	simm.s32 @!p1 $0x0  }
0x14: {  	s2 =	sld [smem:$0x3F9A];
	s0 =	simm.s32 @p1 $0x1  }
0x15: {  	[smem:$0x3FB7] =	sst s0;
	s0 =	simm.s32 @!p2 $0x0  }
0x16: {  	s3 =	sld [smem:$0x3FDB];
	s0 =	simm.s32 @p2 $0x1  }
0x17: {  	s4 =	simm.s32 $0x1BF5;
	[smem:$0x3FB9] =	sst s0  }
0x18: {  	s0 =	sld [smem:$0x3F9C];
	_ =	swait.ge [sflag:s4], $0x0  }
0x19: {  	s7 =	sld [smem:$0x3F9D]  }
0x1a: {  	s8 =	sadd.s32 $0xFFFFE003, lr  }
0x1b: {  	s9 =	sadd.s32 $0xFFFFFEF7, lr;
	s5 =	simm.s32 $0xFFFFFFFF;
	p2 =	slt.u32 s8, $0xFFFFF086  }
0x1c: {  	p1 =	slt.u32 s9, $0xF7A;
	s5 =	simm.s32 @!p2 $0x0  }
0x1d: {  	s5 =	simm.s32 @p1 $0x1;
	p0 =	seq.s32 s7, s2  }
0x1e: {  	s7 =	smul.u32 @!p0 $0xF7A, s2;
	p2 =	seq.s32 @!p0 s5, $0x0  }
0x1f: {  	s9 =	smul.u32 $0xF7A, s1;
	s8 =	simm.s32 @!p0 $0x1BF5;
	p2 =	por !p2, p0  }
0x20: {  	[sflag:s8] =	ssyncset.s32 @!p0 $0xFFFFF086;
	s6 =	sadd.s32 @!p0 s3, s7;
	s7 =	simm.s32 @!p0 $0x108  }
0x21: {  	s3 =	sadd.s32 s3, s9;
	s6 =	sadd.s32 @!p0 $0x88, s6;
	s7 =	simm.s32 @p2 $0x1082  }
0x22: {  	[simem:s7], [sflag:s8] =	dma.local @!p0 [hbm:s6], $0xF7A  }
0x23: {  	s9 =	sor.u32 $0xD0000000, s2;
	s6 =	simm.s32 $0x108;
	_ =	swait.ge @!p0 [sflag:s8], $0x0  }
0x24: {  	s3 =	sadd.s32 $0x88, s3;
	s6 =	simm.s32 @!p1 $0x1082;
	[sflag:s4] =	ssyncset.s32 $0xFFFFF086  }
0x25: {  	[simem:s6], [sflag:s4] =	dma.local [hbm:s3], $0xF7A  }
0x26: {  	[smem:$0x3F9D] =	sst s1;
	(tag) =	ssettag s2;
	_ =	strace s9  }
0x27: {  	s1 =	sld [smem:$0x3FAD]  }
0x28: {  	s2 =	sld [smem:$0x3FAE]  }
0x29: {  	s4 =	sld [smem:$0x3FB0]  }
0x2a: {  	p0 =	seq.s32 s5, $0x0;
	s5 =	sld [smem:$0x3FB1]  }
0x2b: {  	s6 =	sld [smem:$0x3FB2]  }
0x2c: {  	s7 =	sld [smem:$0x3FB3]  }
0x2d: {  	s3 =	simm.s32 $0x108;
	s8 =	sld [smem:$0x3FB4]  }
0x2e: {  	s3 =	simm.s32 @!p0 $0x1082;
	s9 =	sld [smem:$0x3FB5]  }
0x2f: {  	lr =	sadd.s32 s0, s3;
	s0 =	sld [smem:$0x3FAC]  }
0x30: {  	s3 =	sld [smem:$0x3FAF]  }
0x31: {  	[smem:$0x3FB8] =	sst s10  }
0x32: {  	s10 =	sld [smem:$0x3FB6];
	_ =	sdelay $0x3  }
0x33: {  	p0 =	seq.s32 s10, $0x1;
	s10 =	sld [smem:$0x3FB8];
	_ =	sdelay $0x3  }
0x34: {  	[smem:$0x3FB8] =	sst s10  }
0x35: {  	s10 =	sld [smem:$0x3FB7];
	_ =	sdelay $0x3  }
0x36: {  	p1 =	seq.s32 s10, $0x1;
	s10 =	sld [smem:$0x3FB8];
	_ =	sdelay $0x3  }
0x37: {  	[smem:$0x3FB8] =	sst s10  }
0x38: {  	s10 =	sld [smem:$0x3FB9]  }
0x39: {  	_ = 	snop;
	(pc) =	sbr.ind lr, $3  }
0x3a: {  	_ = 	snop  }
0x3b: {  	_ = 	snop  }
0x3c: {  	p2 =	seq.s32 s10, $0x1;
	s10 =	sld [smem:$0x3FB8]  }
0x3d: {  	_ =	shalt  }
0x3e: {  	_ =	shalt  }
0x3f: {  	_ =	shalt  }
0x40: {  	_ =	shalt  }
0x41: {  	_ =	shalt  }
0x42: {  	_ =	shalt  }
0x43: {  	_ =	shalt  }
0x44: {  	_ =	shalt  }
0x45: {  	_ =	shalt  }
0x46: {  	_ =	shalt  }
0x47: {  	_ =	shalt  }
0x48: {  	_ =	shalt  }
0x49: {  	_ =	shalt  }
0x4a: {  	_ =	shalt  }
0x4b: {  	_ =	shalt  }
0x4c: {  	_ =	shalt  }
0x4d: {  	_ =	shalt  }
0x4e: {  	_ =	shalt  }
0x4f: {  	_ =	shalt  }
0x50: {  	_ =	shalt  }
0x51: {  	_ =	shalt  }
0x52: {  	_ =	shalt  }
0x53: {  	_ =	shalt  }
0x54: {  	_ =	shalt  }
0x55: {  	_ =	shalt  }
0x56: {  	_ =	shalt  }
0x57: {  	_ =	shalt  }
0x58: {  	_ =	shalt  }
0x59: {  	_ =	shalt  }
0x5a: {  	_ =	shalt  }
0x5b: {  	_ =	shalt  }
0x5c: {  	_ =	shalt  }
0x5d: {  	_ =	shalt  }
0x5e: {  	_ =	shalt  }
0x5f: {  	_ =	shalt  }
0x60: {  	_ =	shalt  }
0x61: {  	_ =	shalt  }
0x62: {  	_ =	shalt  }
0x63: {  	_ =	shalt  }
0x64: {  	_ =	shalt  }
0x65: {  	_ =	shalt  }
0x66: {  	_ =	shalt  }
0x67: {  	_ =	shalt  }
0x68: {  	_ =	shalt  }
0x69: {  	_ =	shalt  }
0x6a: {  	_ =	shalt  }
0x6b: {  	_ =	shalt  }
0x6c: {  	_ =	shalt  }
0x6d: {  	_ =	shalt  }
0x6e: {  	_ =	shalt  }
0x6f: {  	_ =	shalt  }
0x70: {  	_ =	shalt  }
0x71: {  	_ =	shalt  }
0x72: {  	_ =	shalt  }
0x73: {  	_ =	shalt  }
0x74: {  	_ =	shalt  }
0x75: {  	_ =	shalt  }
0x76: {  	_ =	shalt  }
0x77: {  	_ =	shalt  }
0x78: {  	_ =	shalt  }
0x79: {  	_ =	shalt  }
0x7a: {  	_ =	shalt  }
0x7b: {  	_ =	shalt  }
0x7c: {  	_ =	shalt  }
0x7d: {  	_ =	shalt  }
0x7e: {  	_ =	shalt  }
0x7f: {  	_ =	shalt  }
0x80: {  	_ =	shalt  }
0x81: {  	_ =	shalt  }
0x82: {  	_ =	shalt  }
0x83: {  	_ =	shalt  }
0x84: {  	_ =	shalt  }
0x85: {  	_ =	shalt  }
0x86: {  	_ =	shalt  }
0x87: {  	_ =	shalt  }
.Lfunc_end0:
.L_simem_size_0:
called_computation_lowered:
.L_overlay_start_0:
0x88: {  	s2 =	sld [smem:$0x3FD9]  }
0x89: {  	s3 =	sld [smem:$0x3FFE];
	_ =	sdelay $0x1  }
0x8a: {  	s1 =	srdreg.scid  }
0x8b: {  	s0 =	sand.u32 $0x1, s1  }
0x8c: {  	s17 =	sshll.u32 s0, $0xA;
	s2 =	sadd.s32 s3, s2  }
0x8d: {  	s2 =	sadd.s32 s2, s17  }
0x8e: {  	[smem:$0x3FC4] =	sst s2  }
0x8f: {  	_ = 	snop  }
0x90: {  	s2 =	sld [smem:$0x3FD0];
	(tm) =	ssettm $0x1  }
0x91: {  	s18 =	sld [smem:$0x3FFB];
	_ =	sdelay $0x3  }
0x92: {  	_ =	strace s18  }
0x93: {  	s3 =	sld [smem:$0x3FFC];
	_ =	sdelay $0x3  }
0x94: {  	_ =	strace s3  }
0x95: {  	s3 =	sld [smem:$0x3FFD];
	_ =	sdelay $0x3  }
0x96: {  	_ =	strace s3  }
0x97: {  	_ =	strace $0x8FFFFFFF  }
0x98: {  	s19 =	sld [smem:$0x3FDB];
	_ =	sdelay $0x1  }
0x99: {  	s4 =	simm.s32 $_scs_section_size  }
0x9a: {  	s5 =	simm.s32 $_size__tile_overlayer_lowered;
	s6 =	simm.s32 $_tile_overlayer_lowered  }
0x9b: {  	s22 =	simm.s32 $0x1BFF;
	s21 =	sshll.u32 s6, $0x1;
	s3 =	sadd.s32 s4, s19  }
0x9c: {  	s7 =	simm.s32 $0x0;
	s20 =	sshll.u32 s5, $0x1;
	s5 =	sadd.s32 s21, s3  }
0x9d: {  	[timem:s7], [sflag:s22] =	dma.local [hbm:s5], s20  }
0x9e: {  	_ =	swait.ge [sflag:s22], s20  }
0x9f: {  	s4 =	ssub.s32 $0x0, s20;
	[sflag:s22] =	ssyncset.done $0x0  }
0xa0: {  	[sflag:s22] =	ssyncadd.s32 s4;
	_ =	sdelay $0x1  }
0xa1: {  	s23 =	simm.s32 $0x1B8B  }
0xa2: {  	_ =	swait.ge [sflag:s23], $0x1  }
0xa3: {  	[sflag:s23] =	ssyncset.done $0x0  }
0xa4: {  	s25 =	simm.s32 $0x1B8E;
	s24 =	sld [smem:$0x3FFE];
	[sflag:s23] =	ssyncadd.s32 $0xFFFFFFFF  }
0xa5: {  	s26 =	simm.s32 $execute0_lowered;
	[smem:$0x3FD2] =	sst s25  }
0xa6: {  	s5 =	sshll.u32 s26, $0x1;
	_ =	strace $0x80000046;
	[dreg:$0x1] =	wrdreg $0xFFFFFFFF  }
0xa7: {  	s28 =	simm.s32 $_size_execute0_lowered;
	s3 =	sadd.s32 s3, s5;
	[dreg:$0x0] =	wrdreg $0x0  }
0xa8: {  	s5 =	sshll.u32 s28, $0x1;
	[dreg:$0x2] =	wrdreg s3  }
0xa9: {  	[dreg:$0x3] =	wrdreg s5  }
0xaa: {  	[dreg:$0x4] =	wrdreg $0xC0  }
0xab: {  	_ =	task [dreg:s7], $0x5FFFF  }
0xac: {  	[dreg:$0x1] =	wrdreg $0xFFFFFFFF  }
0xad: {  	[dreg:$0x0] =	wrdreg $0x60  }
0xae: {  	[dreg:$0x2] =	wrdreg s2  }
0xaf: {  	[dreg:$0x3] =	wrdreg s24  }
0xb0: {  	[dreg:$0x4] =	wrdreg $0x2B000  }
0xb1: {  	[dreg:$0x5] =	wrdreg $0x9  }
0xb2: {  	_ =	task.clear_ibuf [dreg:s7], $0x6FFFF;
	_ =	strace $0x90000046  }
0xb3: {  	s29 =	simm.s32 $0x9;
	_ =	strace $0x80000048  }
0xb4: {  	_ =	swait.ge [sflag:s29], $0x1  }
0xb5: {  	[sflag:s29] =	ssyncadd.s32 $0xFFFFFFFF  }
0xb6: {  	_ =	strace $0x90000048  }
0xb7: {  	_ =	sfence  }
0xb8: {  	s30 =	sld [smem:$0x0];
	_ =	sdelay $0x2  }
0xb9: {  	s31 =	sshll.u32 s1, $0xD;
	s1 =	sshrl.u32 s1, $0x2  }
0xba: {  	s3 =	sand.u32 $0x4000, s31;
	s1 =	sadd.s32 s1, s30  }
0xbb: {  	s0 =	sor.u32 s3, s0;
	s1 =	sshll.u32 s1, $0x11  }
0xbc: {  	s0 =	sor.u32 s1, s0  }
0xbd: {  	s0 =	sadd.s32 $0x8F2B, s0  }
0xbe: {  	[sflag:s0] =	ssyncadd.remote.s32 $0x1  }
0xbf: {  	_ =	sfence.sel $0xFFFF  }
0xc0: {  	[dreg:$0x0] =	wrdreg $0xFFFFFFFF;
	(pc) =	sbr.abs _section_cstart, $3  }
0xc1: {  	[dreg:$0x1] =	wrdreg $0xFFFFFFFF  }
0xc2: {  	_ =	task.clear_ibuf [dreg:s7], $0x2FFFF;
	_ =	strace $0x9FFFFFFF  }
0xc3: {  	(tm) =	ssettm $0x7FFFFFFF  }
tec
execute0_lowered:
.L_overlay_start_1:
0x0: {  	(tag) =	ssettag $0x1  }
0x1: {  	s6 =	rddreg [dreg:$0x0]  }
0x2: {  	s4 =	rddreg [dreg:$0x1]  }
0x3: {  	s2 =	rddreg [dreg:$0x2]  }
0x4: {  	s0 =	rddreg [dreg:$0x3]  }
0x5: {  	s5 =	srdreg.scid;
	s1 =	stileid.u32  }
0x6: {  	s3 =	simm.s32 $0x0;
	s12 =	simm.s32 $0x2800;
	s7 =	smul.u32 $0x500, s1  }
0x7: {  	s15 =	simm.s32 $0x20;
	s16 =	simm.s32 $0x10;
	s9 =	smul.u32 $0xA00, s1  }
0x8: {  	s5 =	sand.u32 $0x1, s5;
	[smem:$0x7FF] =	sst s3;
	s11 =	smul.u32 $0x2800, s1  }
0x9: {  	s13 =	sshll.u32 s1, $0x6;
	s8 =	sshll.u32 s5, $0x7;
	_ =	strace $0x80000047  }
0xa: {  	s10 =	ssub.s32 $0x2, s5;
	p0 =	seq.s32 s5, $0x1;
	s13 =	sor.u32 $0x1C01, s13  }
0xb: {  	s8 =	sor.u32 s8, s7;
	s30 =	sshrl.u32 s10, $0x1;
	s9 =	sshrl.u32 s9, $0x2  }
.Ltmp0:
0xc: {  	s31 =	sshrl.u32 s11, $0x3;
	s5 =	sadd.s32 s6, s7;
	(pc) =	sbr.rel .LBB2_1-.Ltmp0, $4  }
0xd: {  	s11 =	simm.s32 $0x80;
	s8 =	sshrl.u32 s8, $0x3;
	s10 =	ssub.s32 s10, s30  }
0xe: {  	s6 =	sadd.s32 s6, s31;
	s8 =	sadd.s32 s8, s4;
	s4 =	sadd.s32 s9, s2  }
0xf: {  	s6 =	sadd.s32 $0x5000, s6;
	s9 =	simm.s32 $0x2880;
	s7 =	sadd.s32 $0xB200, s8  }
0x10: {  	v0 =	vimm.f32 $1.000000000e+00;
	v1 =	vimm.f32 $0.0e+00;
	s8 =	smax.u32 s10, $0x1;
	s10 =	simm.s32 $0x1;
	s14 =	sshrl.u32 s4, $0x3  }
.LBB2_7:
0x11: {  	[sflag:s10] =	ssyncadd.s32 $0xFFFFFF80  }
.LBB2_8:
0x12: {  	s3 =	sadd.s32 $0x1, s3  }
0x13: {  	p1 =	sne.s32 s3, s8  }
.Ltmp1:
0x14: {  	[bflag:$0x0] =	sbarrier.arrive $0xFFFF;
	(pc) =	sbr.rel @!p1 .LBB2_9-.Ltmp1, $4  }
0x15: {  	[hbm:s7@s15], [sflag:s13] =	dma.strided [spmem:s14@s16], $0x50, s10, $0x10   }
0x16: {  	_ =	swait.ge [sflag:s10], $0x50  }
0x17: {  	[sflag:s10] =	ssyncset.done $0x0  }
0x18: {  	[sflag:s10] =	ssyncadd.s32 $0xFFFFFFB0  }
.LBB2_1:
0x19: {  	[tilespmem:$0x2800] =	vst v0  }
0x1a: {  	[tilespmem:$0x2810] =	vst v0  }
0x1b: {  	[tilespmem:$0x2820] =	vst v0  }
0x1c: {  	[tilespmem:$0x2830] =	vst v0  }
0x1d: {  	[tilespmem:$0x2840] =	vst v0  }
0x1e: {  	[tilespmem:$0x2850] =	vst v0  }
0x1f: {  	[tilespmem:$0x2860] =	vst v0  }
0x20: {  	[tilespmem:$0x2870] =	vst v0  }
0x21: {  	[tilespmem:$0x2880] =	vst v1  }
0x22: {  	[tilespmem:$0x2890] =	vst v1  }
0x23: {  	[tilespmem:$0x28A0] =	vst v1  }
0x24: {  	[tilespmem:$0x28B0] =	vst v1  }
0x25: {  	[tilespmem:$0x28C0] =	vst v1  }
0x26: {  	[tilespmem:$0x28D0] =	vst v1  }
0x27: {  	[tilespmem:$0x28E0] =	vst v1  }
0x28: {  	[tilespmem:$0x28F0] =	vst v1  }
0x29: {  	[tilespmem:$0x2900] =	vst v1  }
0x2a: {  	[tilespmem:$0x2910] =	vst v1  }
0x2b: {  	[tilespmem:$0x2920] =	vst v1  }
0x2c: {  	[tilespmem:$0x2930] =	vst v1  }
0x2d: {  	[tilespmem:$0x2940] =	vst v1  }
0x2e: {  	[tilespmem:$0x2950] =	vst v1  }
0x2f: {  	[tilespmem:$0x2960] =	vst v1  }
0x30: {  	[tilespmem:$0x2970] =	vst v1  }
0x31: {  	[tilespmem:$0x2980] =	vst v1  }
0x32: {  	[tilespmem:$0x2990] =	vst v1  }
0x33: {  	[tilespmem:$0x29A0] =	vst v1  }
0x34: {  	[tilespmem:$0x29B0] =	vst v1  }
0x35: {  	[tilespmem:$0x29C0] =	vst v1  }
0x36: {  	[tilespmem:$0x29D0] =	vst v1  }
0x37: {  	[tilespmem:$0x29E0] =	vst v1  }
0x38: {  	[tilespmem:$0x29F0] =	vst v1  }
0x39: {  	[tilespmem:$0x2A00] =	vst v1  }
0x3a: {  	[tilespmem:$0x2A10] =	vst v1  }
0x3b: {  	[tilespmem:$0x2A20] =	vst v1  }
0x3c: {  	[tilespmem:$0x2A30] =	vst v1  }
0x3d: {  	[tilespmem:$0x2A40] =	vst v1  }
0x3e: {  	[tilespmem:$0x2A50] =	vst v1  }
0x3f: {  	[tilespmem:$0x2A60] =	vst v1  }
0x40: {  	[tilespmem:$0x2A70] =	vst v1  }
0x41: {  	[tilespmem:$0x2A80] =	vst v1  }
0x42: {  	[tilespmem:$0x2A90] =	vst v1  }
0x43: {  	[tilespmem:$0x2AA0] =	vst v1  }
0x44: {  	[tilespmem:$0x2AB0] =	vst v1  }
0x45: {  	[tilespmem:$0x2AC0] =	vst v1  }
0x46: {  	[tilespmem:$0x2AD0] =	vst v1  }
0x47: {  	[tilespmem:$0x2AE0] =	vst v1  }
0x48: {  	[tilespmem:$0x2AF0] =	vst v1  }
0x49: {  	[spmem:s4] =	stream.linear.scatter [tilespmem:s9], [sflag:$0x1], $0x280, $0x38;
	[tilespmem:$0x2D80] =	vst v63  }
.Ltmp2:
0x4a: {  	_ =	swait.ge [sflag:s10], $0x280;
	(pc) =	sbr.rel @!p0 .LBB2_2-.Ltmp2, $4  }
0x4b: {  	[sflag:s10] =	ssyncset.done $0x0  }
0x4c: {  	[sflag:s10] =	ssyncadd.s32 $0xFFFFFD80  }
0x4d: {  	[bflag:$0x0] =	sbarrier.arrive $0xFFFF  }
0x4e: {  	s17 =	simm.s32 $0x0  }
0x4f: {  	[tilespmem:s17], [sflag:$0x1] =	stream.linear.gather [hbm4b:s6+s17], $0x2800, $0x38;
	[tilespmem:$0x2D80] =	vst v63  }
0x50: {  	_ =	swait.ge [sflag:s10], $0x2800  }
0x51: {  	[sflag:s10] =	ssyncset.done $0x0  }
0x52: {  	s31 =	simm.s32 $0x0;
	[sflag:s10] =	ssyncadd.s32 $0xFFFFD800  }
0x53: {  	[spmem:s2] =	stream.indirect.scatter.add.f32 [tilespmem:s12], [sflag:$0x1], $0x1, s31, s11, $0xb8;
	[tilespmem:$0x2D80] =	vst v63  }
0x54: {  	_ =	swait.ge [sflag:s10], $0x80  }
0x55: {  	s17 =	simm.s32 $0x200;
	[sflag:s10] =	ssyncset.done $0x0  }
.LBB2_6:
0x56: {  	s18 =	sshra.s32 s17, $0x2;
	[sflag:s10] =	ssyncadd.s32 $0xFFFFFF80;
	p1 =	sne.s32 s17, $0x9E00  }
0x57: {  	[spmem:s2] =	stream.indirect.scatter.add.f32 [tilespmem:s12], [sflag:$0x1], $0x1, s18, s11, $0xb8;
	[tilespmem:$0x2D80] =	vst v63  }
.Ltmp3:
0x58: {  	_ = 	snop;
	(pc) =	sbr.rel @p1 .LBB2_6-.Ltmp3, $4  }
0x59: {  	_ = 	snop  }
0x5a: {  	s17 =	sadd.s32 $0x200, s17  }
0x5b: {  	_ =	swait.ge [sflag:s10], $0x80  }
0x5c: {  	[sflag:s10] =	ssyncset.done $0x0  }
.Ltmp4:
0x5d: {  	_ = 	snop;
	(pc) =	sbr.rel .LBB2_7-.Ltmp4, $1  }
0x5e: {  	_ =	sdelay $0x3  }
.LBB2_2:
0x5f: {  	[tilespmem:s17], [sflag:$0x1] =	stream.linear.gather [hbm4b:s5+s17], $0x2800, $0x38;
	[tilespmem:$0x2D80] =	vst v63  }
0x60: {  	_ =	swait.ge [sflag:s10], $0x2800  }
0x61: {  	[sflag:s10] =	ssyncset.done $0x0  }
0x62: {  	s31 =	simm.s32 $0x0;
	[sflag:s10] =	ssyncadd.s32 $0xFFFFD800  }
0x63: {  	[spmem:s2] =	stream.indirect.scatter.add.f32 [tilespmem:s12], [sflag:$0x1], $0x1, s31, s11, $0xb8;
	[tilespmem:$0x2D80] =	vst v63  }
0x64: {  	_ =	swait.ge [sflag:s10], $0x80  }
0x65: {  	s17 =	simm.s32 $0x200;
	[sflag:s10] =	ssyncset.done $0x0  }
.LBB2_3:
0x66: {  	s18 =	sshra.s32 s17, $0x2;
	[sflag:s10] =	ssyncadd.s32 $0xFFFFFF80;
	p1 =	seq.s32 s17, $0x9E00  }
0x67: {  	[spmem:s2] =	stream.indirect.scatter.add.f32 [tilespmem:s12], [sflag:$0x1], $0x1, s18, s11, $0xb8;
	[tilespmem:$0x2D80] =	vst v63  }
.Ltmp5:
0x68: {  	_ = 	snop;
	(pc) =	sbr.rel @!p1 .LBB2_3-.Ltmp5, $4  }
0x69: {  	_ = 	snop  }
0x6a: {  	s17 =	sadd.s32 $0x200, s17  }
0x6b: {  	_ =	swait.ge [sflag:s10], $0x80  }
0x6c: {  	[sflag:s10] =	ssyncset.done $0x0  }
.Ltmp6:
0x6d: {  	(pc) =	sbr.rel .LBB2_8-.Ltmp6, $2  }
0x6e: {  	_ =	sdelay $0x2  }
0x6f: {  	[sflag:s10] =	ssyncadd.s32 $0xFFFFFF80  }
.LBB2_9:
0x70: {  	_ =	sfence.sel $0x180000  }
0x71: {  	[bflag:$0x0] =	sbarrier.arrive $0xFFFF  }
0x72: {  	p0 =	sne.s32 s1, $0x0;
	_ =	strace $0x90000047  }
0x73: {  	s0 =	sadd.s32 @!p0 $0x100000, s0;
	[bflag:$0x2] =	sbarrier.arrive $0xFFFF  }
0x74: {  	[sflag:s0] =	ssyncadd.tile.s32 @!p0 $0x1;
	_ =	shalt  }
.Lfunc_end2:
_tile_overlayer_lowered:
.L_overlay_start_2:
0x75: {  	(tag) =	ssettag $0x2  }
0x76: {  	s0 =	rddreg [dreg:$0x0];
	s2 =	stileid.u32  }
0x77: {  	s1 =	rddreg [dreg:$0x1];
	p0 =	sne.s32 s2, $0x0  }
0x78: {  	s3 =	rddreg [dreg:$0x2];
	[bflag:$0x3] =	sbarrier.arrive $0xFFFF;
	s2 =	simm.s32 @!p0 $0x1C01  }
0x79: {  	[timem:s3], [sflag:s2] =	dma.local @!p0 [hbm:s0], s1  }
0x7a: {  	s0 =	simm.s32 @!p0 $0x1  }
0x7b: {  	_ =	swait.ge @!p0 [sflag:s0], s1  }
0x7c: {  	s1 =	ssub.s32 @!p0 $0x0, s1;
	[sflag:s0] =	ssyncset.done @!p0 $0x0  }
0x7d: {  	[sflag:s0] =	ssyncadd.s32 @!p0 s1  }
0x7e: {  	[bflag:$0x3] =	sbarrier.arrive $0xFFFF  }
0x7f: {  	_ =	shalt  }

// kernel: kernel.9.cloned.1.call-start
scs
__scs_entry_jumppad:
0x0: {  	(pc) =	sbr.rel $0x88, $3  }
0x1: {  	(tag) =	ssettag $0x0;
	lr =	simm.s32 $0x1  }
0x2: {  	[smem:$0x3F9D] =	sst lr;
	_ =	strace $0xD0000000  }
0x3: {  	_ = 	snop  }
0x4: {  	_ = 	snop  }
0x5: {  	_ = 	snop  }
0x6: {  	_ = 	snop  }
0x7: {  	_ = 	snop  }
__scs_overlays_trampoline_lowered:
0x8: {  	[smem:$0x3FAC] =	sst s0  }
0x9: {  	[smem:$0x3FAD] =	sst s1  }
0xa: {  	[smem:$0x3FAE] =	sst s2  }
0xb: {  	[smem:$0x3FAF] =	sst s3  }
0xc: {  	[smem:$0x3FB0] =	sst s4  }
0xd: {  	[smem:$0x3FB1] =	sst s5  }
0xe: {  	[smem:$0x3FB2] =	sst s6  }
0xf: {  	[smem:$0x3FB3] =	sst s7  }
0x10: {  	[smem:$0x3FB4] =	sst s8  }
0x11: {  	[smem:$0x3FB5] =	sst s9;
	s0 =	simm.s32 @!p0 $0x0  }
0x12: {  	s1 =	sld [smem:$0x3F9B];
	s0 =	simm.s32 @p0 $0x1  }
0x13: {  	[smem:$0x3FB6] =	sst s0;
	s0 =	simm.s32 @!p1 $0x0  }
0x14: {  	s2 =	sld [smem:$0x3F9A];
	s0 =	simm.s32 @p1 $0x1  }
0x15: {  	[smem:$0x3FB7] =	sst s0;
	s0 =	simm.s32 @!p2 $0x0  }
0x16: {  	s3 =	sld [smem:$0x3FDB];
	s0 =	simm.s32 @p2 $0x1  }
0x17: {  	s4 =	simm.s32 $0x1BF5;
	[smem:$0x3FB9] =	sst s0  }
0x18: {  	s0 =	sld [smem:$0x3F9C];
	_ =	swait.ge [sflag:s4], $0x0  }
0x19: {  	s7 =	sld [smem:$0x3F9D]  }
0x1a: {  	s8 =	sadd.s32 $0xFFFFE003, lr  }
0x1b: {  	s9 =	sadd.s32 $0xFFFFFEF7, lr;
	s5 =	simm.s32 $0xFFFFFFFF;
	p2 =	slt.u32 s8, $0xFFFFF086  }
0x1c: {  	p1 =	slt.u32 s9, $0xF7A;
	s5 =	simm.s32 @!p2 $0x0  }
0x1d: {  	s5 =	simm.s32 @p1 $0x1;
	p0 =	seq.s32 s7, s2  }
0x1e: {  	s7 =	smul.u32 @!p0 $0xF7A, s2;
	p2 =	seq.s32 @!p0 s5, $0x0  }
0x1f: {  	s9 =	smul.u32 $0xF7A, s1;
	s8 =	simm.s32 @!p0 $0x1BF5;
	p2 =	por !p2, p0  }
0x20: {  	[sflag:s8] =	ssyncset.s32 @!p0 $0xFFFFF086;
	s6 =	sadd.s32 @!p0 s3, s7;
	s7 =	simm.s32 @!p0 $0x108  }
0x21: {  	s3 =	sadd.s32 s3, s9;
	s6 =	sadd.s32 @!p0 $0x88, s6;
	s7 =	simm.s32 @p2 $0x1082  }
0x22: {  	[simem:s7], [sflag:s8] =	dma.local @!p0 [hbm:s6], $0xF7A  }
0x23: {  	s9 =	sor.u32 $0xD0000000, s2;
	s6 =	simm.s32 $0x108;
	_ =	swait.ge @!p0 [sflag:s8], $0x0  }
0x24: {  	s3 =	sadd.s32 $0x88, s3;
	s6 =	simm.s32 @!p1 $0x1082;
	[sflag:s4] =	ssyncset.s32 $0xFFFFF086  }
0x25: {  	[simem:s6], [sflag:s4] =	dma.local [hbm:s3], $0xF7A  }
0x26: {  	[smem:$0x3F9D] =	sst s1;
	(tag) =	ssettag s2;
	_ =	strace s9  }
0x27: {  	s1 =	sld [smem:$0x3FAD]  }
0x28: {  	s2 =	sld [smem:$0x3FAE]  }
0x29: {  	s4 =	sld [smem:$0x3FB0]  }
0x2a: {  	p0 =	seq.s32 s5, $0x0;
	s5 =	sld [smem:$0x3FB1]  }
0x2b: {  	s6 =	sld [smem:$0x3FB2]  }
0x2c: {  	s7 =	sld [smem:$0x3FB3]  }
0x2d: {  	s3 =	simm.s32 $0x108;
	s8 =	sld [smem:$0x3FB4]  }
0x2e: {  	s3 =	simm.s32 @!p0 $0x1082;
	s9 =	sld [smem:$0x3FB5]  }
0x2f: {  	lr =	sadd.s32 s0, s3;
	s0 =	sld [smem:$0x3FAC]  }
0x30: {  	s3 =	sld [smem:$0x3FAF]  }
0x31: {  	[smem:$0x3FB8] =	sst s10  }
0x32: {  	s10 =	sld [smem:$0x3FB6];
	_ =	sdelay $0x3  }
0x33: {  	p0 =	seq.s32 s10, $0x1;
	s10 =	sld [smem:$0x3FB8];
	_ =	sdelay $0x3  }
0x34: {  	[smem:$0x3FB8] =	sst s10  }
0x35: {  	s10 =	sld [smem:$0x3FB7];
	_ =	sdelay $0x3  }
0x36: {  	p1 =	seq.s32 s10, $0x1;
	s10 =	sld [smem:$0x3FB8];
	_ =	sdelay $0x3  }
0x37: {  	[smem:$0x3FB8] =	sst s10  }
0x38: {  	s10 =	sld [smem:$0x3FB9]  }
0x39: {  	_ = 	snop;
	(pc) =	sbr.ind lr, $3  }
0x3a: {  	_ = 	snop  }
0x3b: {  	_ = 	snop  }
0x3c: {  	p2 =	seq.s32 s10, $0x1;
	s10 =	sld [smem:$0x3FB8]  }
0x3d: {  	_ =	shalt  }
0x3e: {  	_ =	shalt  }
0x3f: {  	_ =	shalt  }
0x40: {  	_ =	shalt  }
0x41: {  	_ =	shalt  }
0x42: {  	_ =	shalt  }
0x43: {  	_ =	shalt  }
0x44: {  	_ =	shalt  }
0x45: {  	_ =	shalt  }
0x46: {  	_ =	shalt  }
0x47: {  	_ =	shalt  }
0x48: {  	_ =	shalt  }
0x49: {  	_ =	shalt  }
0x4a: {  	_ =	shalt  }
0x4b: {  	_ =	shalt  }
0x4c: {  	_ =	shalt  }
0x4d: {  	_ =	shalt  }
0x4e: {  	_ =	shalt  }
0x4f: {  	_ =	shalt  }
0x50: {  	_ =	shalt  }
0x51: {  	_ =	shalt  }
0x52: {  	_ =	shalt  }
0x53: {  	_ =	shalt  }
0x54: {  	_ =	shalt  }
0x55: {  	_ =	shalt  }
0x56: {  	_ =	shalt  }
0x57: {  	_ =	shalt  }
0x58: {  	_ =	shalt  }
0x59: {  	_ =	shalt  }
0x5a: {  	_ =	shalt  }
0x5b: {  	_ =	shalt  }
0x5c: {  	_ =	shalt  }
0x5d: {  	_ =	shalt  }
0x5e: {  	_ =	shalt  }
0x5f: {  	_ =	shalt  }
0x60: {  	_ =	shalt  }
0x61: {  	_ =	shalt  }
0x62: {  	_ =	shalt  }
0x63: {  	_ =	shalt  }
0x64: {  	_ =	shalt  }
0x65: {  	_ =	shalt  }
0x66: {  	_ =	shalt  }
0x67: {  	_ =	shalt  }
0x68: {  	_ =	shalt  }
0x69: {  	_ =	shalt  }
0x6a: {  	_ =	shalt  }
0x6b: {  	_ =	shalt  }
0x6c: {  	_ =	shalt  }
0x6d: {  	_ =	shalt  }
0x6e: {  	_ =	shalt  }
0x6f: {  	_ =	shalt  }
0x70: {  	_ =	shalt  }
0x71: {  	_ =	shalt  }
0x72: {  	_ =	shalt  }
0x73: {  	_ =	shalt  }
0x74: {  	_ =	shalt  }
0x75: {  	_ =	shalt  }
0x76: {  	_ =	shalt  }
0x77: {  	_ =	shalt  }
0x78: {  	_ =	shalt  }
0x79: {  	_ =	shalt  }
0x7a: {  	_ =	shalt  }
0x7b: {  	_ =	shalt  }
0x7c: {  	_ =	shalt  }
0x7d: {  	_ =	shalt  }
0x7e: {  	_ =	shalt  }
0x7f: {  	_ =	shalt  }
0x80: {  	_ =	shalt  }
0x81: {  	_ =	shalt  }
0x82: {  	_ =	shalt  }
0x83: {  	_ =	shalt  }
0x84: {  	_ =	shalt  }
0x85: {  	_ =	shalt  }
0x86: {  	_ =	shalt  }
0x87: {  	_ =	shalt  }
.Lfunc_end0:
.L_simem_size_0:
called_computation.1_lowered:
.L_overlay_start_0:
0x88: {  	s2 =	sld [smem:$0x3FD9]  }
0x89: {  	s3 =	sld [smem:$0x3FFE];
	_ =	sdelay $0x1  }
0x8a: {  	s1 =	srdreg.scid  }
0x8b: {  	s0 =	sand.u32 $0x1, s1  }
0x8c: {  	s17 =	sshll.u32 s0, $0xA;
	s2 =	sadd.s32 s3, s2  }
0x8d: {  	s2 =	sadd.s32 s2, s17  }
0x8e: {  	[smem:$0x3FC4] =	sst s2  }
0x8f: {  	_ = 	snop  }
0x90: {  	s2 =	sld [smem:$0x3FD0];
	(tm) =	ssettm $0x1  }
0x91: {  	s18 =	sld [smem:$0x3FFB];
	_ =	sdelay $0x3  }
0x92: {  	_ =	strace s18  }
0x93: {  	s3 =	sld [smem:$0x3FFC];
	_ =	sdelay $0x3  }
0x94: {  	_ =	strace s3  }
0x95: {  	s3 =	sld [smem:$0x3FFD];
	_ =	sdelay $0x3  }
0x96: {  	_ =	strace s3  }
0x97: {  	_ =	strace $0x8FFFFFFF  }
0x98: {  	s19 =	sld [smem:$0x3FDB];
	_ =	sdelay $0x1  }
0x99: {  	s4 =	simm.s32 $_scs_section_size  }
0x9a: {  	s5 =	simm.s32 $_size__tile_overlayer_lowered;
	s6 =	simm.s32 $_tile_overlayer_lowered  }
0x9b: {  	s22 =	simm.s32 $0x1BFF;
	s21 =	sshll.u32 s6, $0x1;
	s3 =	sadd.s32 s4, s19  }
0x9c: {  	s7 =	simm.s32 $0x0;
	s20 =	sshll.u32 s5, $0x1;
	s5 =	sadd.s32 s21, s3  }
0x9d: {  	[timem:s7], [sflag:s22] =	dma.local [hbm:s5], s20  }
0x9e: {  	_ =	swait.ge [sflag:s22], s20  }
0x9f: {  	s4 =	ssub.s32 $0x0, s20;
	[sflag:s22] =	ssyncset.done $0x0  }
0xa0: {  	[sflag:s22] =	ssyncadd.s32 s4;
	_ =	sdelay $0x1  }
0xa1: {  	s23 =	simm.s32 $0x1B8B  }
0xa2: {  	_ =	swait.ge [sflag:s23], $0x1  }
0xa3: {  	[sflag:s23] =	ssyncset.done $0x0  }
0xa4: {  	s25 =	simm.s32 $0x1B8E;
	s24 =	sld [smem:$0x3FFE];
	[sflag:s23] =	ssyncadd.s32 $0xFFFFFFFF  }
0xa5: {  	s26 =	simm.s32 $execute0_lowered;
	[smem:$0x3FD2] =	sst s25  }
0xa6: {  	s5 =	sshll.u32 s26, $0x1;
	_ =	strace $0x80000049;
	[dreg:$0x1] =	wrdreg $0xFFFFFFFF  }
0xa7: {  	s28 =	simm.s32 $_size_execute0_lowered;
	s3 =	sadd.s32 s3, s5;
	[dreg:$0x0] =	wrdreg $0x0  }
0xa8: {  	s5 =	sshll.u32 s28, $0x1;
	[dreg:$0x2] =	wrdreg s3  }
0xa9: {  	[dreg:$0x3] =	wrdreg s5  }
0xaa: {  	[dreg:$0x4] =	wrdreg $0xC0  }
0xab: {  	_ =	task [dreg:s7], $0x5FFFF  }
0xac: {  	[dreg:$0x1] =	wrdreg $0xFFFFFFFF  }
0xad: {  	[dreg:$0x0] =	wrdreg $0x60  }
0xae: {  	[dreg:$0x2] =	wrdreg s24  }
0xaf: {  	[dreg:$0x3] =	wrdreg s2  }
0xb0: {  	[dreg:$0x4] =	wrdreg $0x90000  }
0xb1: {  	[dreg:$0x5] =	wrdreg $0x9  }
0xb2: {  	_ =	task.clear_ibuf [dreg:s7], $0x6FFFF;
	_ =	strace $0x90000049  }
0xb3: {  	s29 =	simm.s32 $0x9;
	_ =	strace $0x8000004B  }
0xb4: {  	_ =	swait.ge [sflag:s29], $0x1  }
0xb5: {  	[sflag:s29] =	ssyncadd.s32 $0xFFFFFFFF  }
0xb6: {  	_ =	strace $0x9000004B  }
0xb7: {  	_ =	sfence  }
0xb8: {  	s30 =	sld [smem:$0x0];
	_ =	sdelay $0x2  }
0xb9: {  	s31 =	sshll.u32 s1, $0xD;
	s1 =	sshrl.u32 s1, $0x2  }
0xba: {  	s3 =	sand.u32 $0x4000, s31;
	s1 =	sadd.s32 s1, s30  }
0xbb: {  	s0 =	sor.u32 s3, s0;
	s1 =	sshll.u32 s1, $0x11  }
0xbc: {  	s0 =	sor.u32 s1, s0  }
0xbd: {  	s0 =	sadd.s32 $0x8F2B, s0  }
0xbe: {  	[sflag:s0] =	ssyncadd.remote.s32 $0x1  }
0xbf: {  	_ =	sfence.sel $0xFFFF  }
0xc0: {  	[dreg:$0x0] =	wrdreg $0xFFFFFFFF;
	(pc) =	sbr.abs _section_cstart, $3  }
0xc1: {  	[dreg:$0x1] =	wrdreg $0xFFFFFFFF  }
0xc2: {  	_ =	task.clear_ibuf [dreg:s7], $0x2FFFF;
	_ =	strace $0x9FFFFFFF  }
0xc3: {  	(tm) =	ssettm $0x7FFFFFFF  }
tec
execute0_lowered:
.L_overlay_start_1:
0x0: {  	(tag) =	ssettag $0x1  }
0x1: {  	s5 =	rddreg [dreg:$0x0]  }
0x2: {  	s9 =	rddreg [dreg:$0x1]  }
0x3: {  	s2 =	rddreg [dreg:$0x2];
	s3 =	simm.s32 $0x0;
	s1 =	stileid.u32  }
0x4: {  	s4 =	srdreg.scid;
	s28 =	simm.s32 $0x80;
	s6 =	smul.u32 $0x50000, s1  }
0x5: {  	s29 =	simm.s32 $0x1;
	[smem:$0x7FF] =	sst s3;
	s10 =	smul.u32 $0x500, s1  }
0x6: {  	s8 =	sadd.s32 $0x1200, s5;
	s7 =	sand.u32 $0x1, s4;
	s12 =	smul.u32 $0x2800, s1  }
0x7: {  	s4 =	sadd.s32 $0xB200, s5;
	s19 =	sadd.s32 $0x33200, s5;
	s17 =	smul.u32 $0x14000, s1  }
0x8: {  	_ =	strace $0x8000004A;
	s11 =	ssub.s32 $0x2, s7;
	s18 =	smul.u32 $0x140000, s7  }
0x9: {  	p0 =	seq.s32 s7, $0x1;
	s24 =	sshrl.u32 s11, $0x1;
	s25 =	sshrl.u32 s6, $0x2  }
0xa: {  	s26 =	sshrl.u32 s12, $0x3;
	s0 =	sadd.s32 s8, s10;
	s7 =	sadd.s32 s9, s10  }
0xb: {  	s20 =	sadd.s32 $0x4000, s17;
	s21 =	sadd.s32 $0x8000, s17;
	s23 =	sadd.s32 $0xC000, s17  }
0xc: {  	s11 =	ssub.s32 s11, s24;
	s5 =	sadd.s32 s25, s2;
	[dreg:$0x4] =	wrdreg s0  }
0xd: {  	s12 =	sadd.s32 $0x5000, s26;
	s13 =	sadd.s32 s18, s17;
	s15 =	sadd.s32 s18, s20  }
0xe: {  	s22 =	sadd.s32 s20, s2;
	s31 =	sadd.s32 s18, s21;
	s24 =	sadd.s32 s18, s23  }
0xf: {  	s25 =	sadd.s32 $0x10000, s17;
	s26 =	sadd.s32 s21, s2;
	s21 =	simm.s32 $0x2  }
0x10: {  	s8 =	sadd.s32 s8, s12;
	s30 =	sshrl.u32 s13, $0x3;
	s9 =	sadd.s32 s9, s12  }
0x11: {  	s11 =	smax.u32 s11, $0x1;
	s12 =	sadd.s32 $0x4000, s5;
	s13 =	sadd.s32 $0x8000, s5  }
0x12: {  	s14 =	sadd.s32 $0xC000, s5;
	s16 =	sshrl.u32 s15, $0x3;
	s15 =	sadd.s32 $0x10000, s5  }
0x13: {  	s20 =	sshrl.u32 s31, $0x3;
	s0 =	sshrl.u32 s24, $0x3;
	s6 =	sadd.s32 s18, s25  }
.Ltmp0:
0x14: {  	s31 =	sadd.s32 s23, s2;
	s25 =	sadd.s32 s25, s2;
	(pc) =	sbr.rel .LBB2_1-.Ltmp0, $4  }
0x15: {  	s22 =	sshrl.u32 s22, $0x3;
	s23 =	sshrl.u32 s26, $0x3;
	s26 =	simm.s32 $0x2800  }
0x16: {  	s10 =	sadd.s32 s19, s30;
	s16 =	sadd.s32 s19, s16;
	s17 =	sadd.s32 s19, s20  }
0x17: {  	s18 =	sadd.s32 s19, s0;
	s30 =	sshrl.u32 s6, $0x3;
	s20 =	simm.s32 $0x5000  }
0x18: {  	v0 =	vimm.f32 $0.0e+00;
	s24 =	sshrl.u32 s31, $0x3;
	s25 =	sshrl.u32 s25, $0x3;
	s19 =	sadd.s32 s19, s30  }
.LBB2_6:
0x19: {  	s0 =	sshra.s32 s30, $0x2;
	[sflag:s21] =	ssyncadd.s32 $0xFFFFC000  }
0x1a: {  	[tilespmem:s20], [sflag:$0x1] =	stream.indirect.gather [hbm4b:s4+s28], $0x80, s0, s28, $0xb8;
	[tilespmem:$0x1D000] =	vst v63  }
0x1b: {  	_ =	swait.ge [sflag:s29], $0x4000  }
0x1c: {  	[sflag:s29] =	ssyncset.done $0x0  }
0x1d: {  	s0 =	sadd.s32 $0x2800, s0;
	[sflag:s29] =	ssyncadd.s32 $0xFFFFC000  }
0x1e: {  	[spmem:s2] =	stream.indirect.scatter.add.f32 [tilespmem:s20], [sflag:$0x2], $0x80, s0, s28, $0xb8;
	[tilespmem:$0x1D000] =	vst v63  }
0x1f: {  	_ =	swait.ge [sflag:s21], $0x4000  }
0x20: {  	[sflag:s21] =	ssyncset.done $0x0  }
0x21: {  	[sflag:s21] =	ssyncadd.s32 $0xFFFFC000  }
.LBB2_10:
0x22: {  	s0 =	sshll.u32 s1, $0x6  }
0x23: {  	[bflag:$0x0] =	sbarrier.arrive $0xFFFF;
	s6 =	sshrl.u32 s5, $0x3;
	s0 =	sor.u32 $0x1C02, s0  }
0x24: {  	[hbm:s10], [sflag:s0] =	dma.local [spmem:s6], $0x800  }
0x25: {  	_ =	swait.ge [sflag:s21], $0x800  }
0x26: {  	[sflag:s21] =	ssyncset.done $0x0  }
0x27: {  	[sflag:s21] =	ssyncadd.s32 $0xFFFFF800  }
0x28: {  	[hbm:s16], [sflag:s0] =	dma.local [spmem:s22], $0x800  }
0x29: {  	_ =	swait.ge [sflag:s21], $0x800  }
0x2a: {  	[sflag:s21] =	ssyncset.done $0x0  }
0x2b: {  	[sflag:s21] =	ssyncadd.s32 $0xFFFFF800  }
0x2c: {  	[hbm:s17], [sflag:s0] =	dma.local [spmem:s23], $0x800  }
0x2d: {  	_ =	swait.ge [sflag:s21], $0x800  }
0x2e: {  	[sflag:s21] =	ssyncset.done $0x0  }
0x2f: {  	[sflag:s21] =	ssyncadd.s32 $0xFFFFF800  }
0x30: {  	[hbm:s18], [sflag:s0] =	dma.local [spmem:s24], $0x800  }
0x31: {  	s3 =	sadd.s32 $0x1, s3;
	_ =	swait.ge [sflag:s21], $0x800  }
0x32: {  	p1 =	sne.s32 s3, s11;
	[sflag:s21] =	ssyncset.done $0x0  }
.Ltmp1:
0x33: {  	[sflag:s21] =	ssyncadd.s32 $0xFFFFF800;
	(pc) =	sbr.rel @!p1 .LBB2_11-.Ltmp1, $4  }
0x34: {  	[hbm:s19], [sflag:s0] =	dma.local [spmem:s25], $0x800  }
0x35: {  	_ =	swait.ge [sflag:s21], $0x800  }
0x36: {  	[sflag:s21] =	ssyncset.done $0x0  }
0x37: {  	[sflag:s21] =	ssyncadd.s32 $0xFFFFF800  }
.LBB2_1:
0x38: {  	s30 =	simm.s32 $0x0;
	s31 =	simm.s32 $0x200  }
.LBB2_2:
0x39: {  	p1 =	sne.s32 s31, $0xFE00;
	[tilespmem:s30+$0x5070] =	vst v0  }
0x3a: {  	[tilespmem:s30+$0x5000] =	vst v0  }
0x3b: {  	[tilespmem:s30+$0x5010] =	vst v0  }
.Ltmp2:
0x3c: {  	[tilespmem:s30+$0x5020] =	vst v0;
	(pc) =	sbr.rel @p1 .LBB2_2-.Ltmp2, $4  }
0x3d: {  	[tilespmem:s30+$0x5030] =	vst v0  }
0x3e: {  	[tilespmem:s30+$0x5040] =	vst v0  }
0x3f: {  	[tilespmem:s30+$0x5050] =	vst v0  }
0x40: {  	[tilespmem:s30+$0x5060] =	vst v0;
	s30 =	sshra.s32 s31, $0x2;
	s31 =	sadd.s32 $0x200, s31  }
0x41: {  	[tilespmem:s30+$0x5070] =	vst v0  }
0x42: {  	[tilespmem:s30+$0x5000] =	vst v0  }
0x43: {  	[tilespmem:s30+$0x5010] =	vst v0  }
0x44: {  	[tilespmem:s30+$0x5020] =	vst v0  }
0x45: {  	[tilespmem:s30+$0x5030] =	vst v0  }
0x46: {  	[tilespmem:s30+$0x5040] =	vst v0  }
0x47: {  	[tilespmem:s30+$0x5050] =	vst v0  }
0x48: {  	[tilespmem:s30+$0x5060] =	vst v0  }
0x49: {  	[spmem:s5] =	stream.linear.scatter [tilespmem:s20], [sflag:$0x2], $0x4000, $0x38;
	[tilespmem:$0x1D000] =	vst v63  }
0x4a: {  	_ =	swait.ge [sflag:s21], $0x4000  }
0x4b: {  	[sflag:s21] =	ssyncset.done $0x0  }
0x4c: {  	[sflag:s21] =	ssyncadd.s32 $0xFFFFC000  }
0x4d: {  	[spmem:s12] =	stream.linear.scatter [tilespmem:s20], [sflag:$0x2], $0x4000, $0x38;
	[tilespmem:$0x1D000] =	vst v63  }
0x4e: {  	_ =	swait.ge [sflag:s21], $0x4000  }
0x4f: {  	[sflag:s21] =	ssyncset.done $0x0  }
0x50: {  	[sflag:s21] =	ssyncadd.s32 $0xFFFFC000  }
0x51: {  	[spmem:s13] =	stream.linear.scatter [tilespmem:s20], [sflag:$0x2], $0x4000, $0x38;
	[tilespmem:$0x1D000] =	vst v63  }
0x52: {  	_ =	swait.ge [sflag:s21], $0x4000  }
0x53: {  	[sflag:s21] =	ssyncset.done $0x0  }
0x54: {  	[sflag:s21] =	ssyncadd.s32 $0xFFFFC000  }
0x55: {  	[spmem:s14] =	stream.linear.scatter [tilespmem:s20], [sflag:$0x2], $0x4000, $0x38;
	[tilespmem:$0x1D000] =	vst v63  }
0x56: {  	_ =	swait.ge [sflag:s21], $0x4000  }
0x57: {  	[sflag:s21] =	ssyncset.done $0x0  }
0x58: {  	[sflag:s21] =	ssyncadd.s32 $0xFFFFC000  }
0x59: {  	[spmem:s15] =	stream.linear.scatter [tilespmem:s20], [sflag:$0x2], $0x4000, $0x38;
	[tilespmem:$0x1D000] =	vst v63  }
.Ltmp3:
0x5a: {  	_ =	swait.ge [sflag:s21], $0x4000;
	(pc) =	sbr.rel @!p0 .LBB2_4-.Ltmp3, $3  }
0x5b: {  	[sflag:s21] =	ssyncset.done $0x0  }
0x5c: {  	[sflag:s21] =	ssyncadd.s32 $0xFFFFC000  }
0x5d: {  	[bflag:$0x0] =	sbarrier.arrive $0xFFFF;
	_ =	sdelay $0x1  }
0x5e: {  	s0 =	simm.s32 $0x0  }
0x5f: {  	[tilespmem:s0], [sflag:$0x2] =	stream.linear.gather [hbm4b:s8+s0], $0x2800, $0x38;
	[tilespmem:$0x1D000] =	vst v63  }
0x60: {  	_ =	swait.ge [sflag:s21], $0x2800  }
0x61: {  	[sflag:s21] =	ssyncset.done $0x0  }
0x62: {  	[sflag:s21] =	ssyncadd.s32 $0xFFFFD800  }
0x63: {  	[tilespmem:s26], [sflag:$0x2] =	stream.linear.gather [hbm4b:s9+s0], $0x2800, $0x38;
	[tilespmem:$0x1D000] =	vst v63  }
0x64: {  	_ =	swait.ge [sflag:s21], $0x2800  }
0x65: {  	[sflag:s21] =	ssyncset.done $0x0  }
0x66: {  	s6 =	simm.s32 $0x0;
	[sflag:s21] =	ssyncadd.s32 $0xFFFFD800  }
0x67: {  	[tilespmem:s20], [sflag:$0x1] =	stream.indirect.gather [hbm4b:s4+s28], $0x80, s6, s28, $0xb8;
	[tilespmem:$0x1D000] =	vst v63  }
0x68: {  	_ =	swait.ge [sflag:s29], $0x4000  }
0x69: {  	[sflag:s29] =	ssyncset.done $0x0  }
0x6a: {  	s6 =	simm.s32 $0x2800;
	[sflag:s29] =	ssyncadd.s32 $0xFFFFC000  }
0x6b: {  	[spmem:s2] =	stream.indirect.scatter.add.f32 [tilespmem:s20], [sflag:$0x2], $0x80, s6, s28, $0xb8;
	[tilespmem:$0x1D000] =	vst v63  }
0x6c: {  	_ =	swait.ge [sflag:s21], $0x4000  }
0x6d: {  	s30 =	simm.s32 $0x200;
	s31 =	simm.s32 $0x400;
	[sflag:s21] =	ssyncset.done $0x0  }
.LBB2_8:
0x6e: {  	s0 =	sshra.s32 s30, $0x2  }
0x6f: {  	[sflag:s21] =	ssyncadd.s32 $0xFFFFC000;
	s30 =	smov.u32 s31;
	s6 =	sadd.s32 $0x200, s31  }
0x70: {  	[tilespmem:s20], [sflag:$0x1] =	stream.indirect.gather [hbm4b:s4+s28], $0x80, s0, s28, $0xb8;
	[tilespmem:$0x1D000] =	vst v63  }
0x71: {  	p1 =	sne.s32 s31, $0x9E00;
	_ =	swait.ge [sflag:s29], $0x4000  }
.Ltmp4:
0x72: {  	[sflag:s29] =	ssyncset.done $0x0;
	(pc) =	sbr.rel @p1 .LBB2_8-.Ltmp4, $4  }
0x73: {  	s0 =	sadd.s32 $0x2800, s0;
	[sflag:s29] =	ssyncadd.s32 $0xFFFFC000  }
0x74: {  	[spmem:s2] =	stream.indirect.scatter.add.f32 [tilespmem:s20], [sflag:$0x2], $0x80, s0, s28, $0xb8;
	[tilespmem:$0x1D000] =	vst v63  }
0x75: {  	_ =	swait.ge [sflag:s21], $0x4000  }
0x76: {  	s31 =	smov.u32 s6;
	[sflag:s21] =	ssyncset.done $0x0  }
0x77: {  	s0 =	sshra.s32 s30, $0x2;
	[sflag:s21] =	ssyncadd.s32 $0xFFFFC000  }
0x78: {  	[tilespmem:s20], [sflag:$0x1] =	stream.indirect.gather [hbm4b:s4+s28], $0x80, s0, s28, $0xb8;
	[tilespmem:$0x1D000] =	vst v63  }
0x79: {  	_ =	swait.ge [sflag:s29], $0x4000  }
0x7a: {  	[sflag:s29] =	ssyncset.done $0x0  }
.Ltmp5:
0x7b: {  	s0 =	sadd.s32 $0x2800, s0;
	[sflag:s29] =	ssyncadd.s32 $0xFFFFC000;
	(pc) =	sbr.rel .LBB2_10-.Ltmp5, $4  }
0x7c: {  	[spmem:s2] =	stream.indirect.scatter.add.f32 [tilespmem:s20], [sflag:$0x2], $0x80, s0, s28, $0xb8;
	[tilespmem:$0x1D000] =	vst v63  }
0x7d: {  	_ =	swait.ge [sflag:s21], $0x4000  }
0x7e: {  	[sflag:s21] =	ssyncset.done $0x0  }
0x7f: {  	[sflag:s21] =	ssyncadd.s32 $0xFFFFC000  }
.LBB2_4:
0x80: {  	s30 =	simm.s32 $0x0;
	s0 =	rddreg [dreg:$0x4]  }
0x81: {  	[tilespmem:s30], [sflag:$0x2] =	stream.linear.gather [hbm4b:s0+s30], $0x2800, $0x38;
	[tilespmem:$0x1D000] =	vst v63  }
0x82: {  	_ =	swait.ge [sflag:s21], $0x2800  }
0x83: {  	[sflag:s21] =	ssyncset.done $0x0  }
0x84: {  	[sflag:s21] =	ssyncadd.s32 $0xFFFFD800  }
0x85: {  	[tilespmem:s26], [sflag:$0x2] =	stream.linear.gather [hbm4b:s7+s30], $0x2800, $0x38;
	[tilespmem:$0x1D000] =	vst v63  }
0x86: {  	_ =	swait.ge [sflag:s21], $0x2800  }
0x87: {  	[sflag:s21] =	ssyncset.done $0x0  }
0x88: {  	s30 =	simm.s32 $0x0;
	[sflag:s21] =	ssyncadd.s32 $0xFFFFD800  }
0x89: {  	[tilespmem:s20], [sflag:$0x1] =	stream.indirect.gather [hbm4b:s4+s28], $0x80, s30, s28, $0xb8;
	[tilespmem:$0x1D000] =	vst v63  }
0x8a: {  	_ =	swait.ge [sflag:s29], $0x4000  }
0x8b: {  	[sflag:s29] =	ssyncset.done $0x0  }
0x8c: {  	s30 =	simm.s32 $0x2800;
	[sflag:s29] =	ssyncadd.s32 $0xFFFFC000  }
0x8d: {  	[spmem:s2] =	stream.indirect.scatter.add.f32 [tilespmem:s20], [sflag:$0x2], $0x80, s30, s28, $0xb8;
	[tilespmem:$0x1D000] =	vst v63  }
0x8e: {  	_ =	swait.ge [sflag:s21], $0x4000  }
0x8f: {  	s31 =	simm.s32 $0x400;
	s30 =	simm.s32 $0x200;
	[sflag:s21] =	ssyncset.done $0x0  }
.LBB2_5:
0x90: {  	s0 =	sshra.s32 s30, $0x2  }
0x91: {  	[sflag:s21] =	ssyncadd.s32 $0xFFFFC000;
	s30 =	smov.u32 s31;
	s6 =	sadd.s32 $0x200, s31  }
0x92: {  	[tilespmem:s20], [sflag:$0x1] =	stream.indirect.gather [hbm4b:s4+s28], $0x80, s0, s28, $0xb8;
	[tilespmem:$0x1D000] =	vst v63  }
0x93: {  	p1 =	seq.s32 s31, $0x9E00;
	_ =	swait.ge [sflag:s29], $0x4000  }
.Ltmp6:
0x94: {  	[sflag:s29] =	ssyncset.done $0x0;
	(pc) =	sbr.rel @!p1 .LBB2_5-.Ltmp6, $4  }
0x95: {  	s0 =	sadd.s32 $0x2800, s0;
	[sflag:s29] =	ssyncadd.s32 $0xFFFFC000  }
0x96: {  	[spmem:s2] =	stream.indirect.scatter.add.f32 [tilespmem:s20], [sflag:$0x2], $0x80, s0, s28, $0xb8;
	[tilespmem:$0x1D000] =	vst v63  }
0x97: {  	_ =	swait.ge [sflag:s21], $0x4000  }
0x98: {  	s31 =	smov.u32 s6;
	[sflag:s21] =	ssyncset.done $0x0  }
.Ltmp7:
0x99: {  	_ = 	snop;
	(pc) =	sbr.rel .LBB2_6-.Ltmp7, $1  }
0x9a: {  	_ =	sdelay $0x3  }
.LBB2_11:
0x9b: {  	_ =	sfence.sel $0x180000  }
0x9c: {  	[bflag:$0x0] =	sbarrier.arrive $0xFFFF  }
0x9d: {  	_ =	strace $0x9000004A  }
0x9e: {  	[bflag:$0x2] =	sbarrier.arrive $0xFFFF  }
0x9f: {  	p0 =	sne.s32 s1, $0x0;
	s0 =	rddreg [dreg:$0x3]  }
0xa0: {  	s0 =	sadd.s32 @!p0 $0x100000, s0  }
0xa1: {  	[sflag:s0] =	ssyncadd.tile.s32 @!p0 $0x1;
	_ =	shalt  }
.Lfunc_end2:
_tile_overlayer_lowered:
.L_overlay_start_2:
0xa2: {  	(tag) =	ssettag $0x2  }
0xa3: {  	s0 =	rddreg [dreg:$0x0];
	s2 =	stileid.u32  }
0xa4: {  	s1 =	rddreg [dreg:$0x1];
	p0 =	sne.s32 s2, $0x0  }
0xa5: {  	s3 =	rddreg [dreg:$0x2];
	[bflag:$0x3] =	sbarrier.arrive $0xFFFF;
	s2 =	simm.s32 @!p0 $0x1C02  }
0xa6: {  	[timem:s3], [sflag:s2] =	dma.local @!p0 [hbm:s0], s1  }
0xa7: {  	s0 =	simm.s32 @!p0 $0x2  }
0xa8: {  	_ =	swait.ge @!p0 [sflag:s0], s1  }
0xa9: {  	s1 =	ssub.s32 @!p0 $0x0, s1;
	[sflag:s0] =	ssyncset.done @!p0 $0x0  }
0xaa: {  	[sflag:s0] =	ssyncadd.s32 @!p0 s1  }
0xab: {  	[bflag:$0x3] =	sbarrier.arrive $0xFFFF  }
0xac: {  	_ =	shalt  }

</sc_bundles>
